<compile_context>
chip_gen: v7x
topology: tpu7x:2x2x1
jax: 0.10.2.dev20260603
libtpu: 0.0.44.dev20260713+nightly
codegen_flags: <defaults>
</compile_context>

<pallas_src>
import functools

import jax
import jax.numpy as jnp
from jax import lax
from jax.experimental import pallas as pl
from jax.experimental.pallas import tpu as pltpu
from jax.experimental.pallas import tpu_sc as plsc

_NC = 2
_NS = 16
_NW = _NC * _NS
_L = 16


@functools.lru_cache(maxsize=None)
def _make_gather(B0, H, V2, D):
    rows_per_w = B0 // _NW
    C = H
    n_chunks = rows_per_w
    n_grp = (C + _L - 1) // _L
    mesh = plsc.VectorSubcoreMesh(
        core_axis_name="c", subcore_axis_name="s",
        num_cores=_NC, num_subcores=_NS,
    )

    @functools.partial(
        pl.kernel,
        out_type=jax.ShapeDtypeStruct((B0, H, D), jnp.float32),
        mesh=mesh,
        scratch_types=[
            [pltpu.VMEM((C,), jnp.int32)] * 2,
            [pltpu.VMEM((C,), jnp.int32)] * 2,
            [pltpu.VMEM((C,), jnp.int32)] * 2,
            [pltpu.VMEM((C, 2 * D), jnp.float32)] * 2,
            [pltpu.VMEM((1, H, D), jnp.float32)] * 2,
            [pltpu.SemaphoreType.DMA] * 2,
            [pltpu.SemaphoreType.DMA] * 2,
        ],
        compiler_params=pltpu.CompilerParams(use_tc_tiling_on_sc=True,
                                             needs_layout_passes=False),
    )
    def gather_kernel(x_hbm, t2_hbm, out_hbm, idx_v, idx2_v, par_v, g_v,
                      rows_v, g_sem, st_sem):
        wid = lax.axis_index("s") * _NC + lax.axis_index("c")
        sbase = wid * rows_per_w
        ibase = sbase * H

        def load_prep(i, b):
            pltpu.sync_copy(x_hbm.at[pl.ds(ibase + i * C, C)], idx_v[b])

            def prep(j, carry):
                v = idx_v[b][pl.ds(j * _L, _L)]
                idx2_v[b][pl.ds(j * _L, _L)] = lax.shift_right_logical(v, 1)
                par_v[b][pl.ds(j * _L, _L)] = (v & 1) * D
                return carry

            lax.fori_loop(0, C // _L, prep, 0)
            if C % _L:
                v = idx_v[b][pl.ds(C - _L, _L)]
                idx2_v[b][pl.ds(C - _L, _L)] = lax.shift_right_logical(v, 1)
                par_v[b][pl.ds(C - _L, _L)] = (v & 1) * D

        def fire_gather(b):
            pltpu.async_copy(t2_hbm.at[idx2_v[b]], g_v[b], g_sem[b])

        def wait_gather(b):
            pltpu.make_async_copy(t2_hbm.at[idx2_v[b]], g_v[b],
                                  g_sem[b]).wait()

        def relocate(b):
            zeros = jnp.zeros((_L,), jnp.int32)

            def grp(j, carry):
                rows = j * _L + lax.iota(jnp.int32, _L)
                msk = rows < C
                rows = jnp.where(msk, rows, 0)
                par = plsc.load_gather(par_v[b], [rows])
                for c in range(0, D, _L):
                    cc = c + lax.iota(jnp.int32, _L)
                    vals = plsc.load_gather(g_v[b], [rows, par + c],
                                            mask=msk)
                    plsc.store_scatter(rows_v[b], [zeros, rows, cc],
                                       vals, mask=msk)
                return carry

            lax.fori_loop(0, n_grp, grp, 0)

        def fire_store(i, b):
            pltpu.async_copy(rows_v[b], out_hbm.at[pl.ds(sbase + i, 1)],
                             st_sem[b])

        def wait_store(b):
            pltpu.make_async_copy(rows_v[b], out_hbm.at[pl.ds(0, 1)],
                                  st_sem[b]).wait()

        for b in range(2):
            load_prep(b, b)
            fire_gather(b)

        def body(j, carry):
            for b in range(2):
                i = 2 * j + b
                wait_gather(b)
                relocate(b)
                fire_store(i - 2, b)
                wait_store(b)
                load_prep(i, b)
                fire_gather(b)
            return carry

        lax.fori_loop(1, n_chunks // 2, body, 0)

        for b in range(2):
            i = n_chunks - 2 + b
            wait_gather(b)
            relocate(b)
            fire_store(i, b)
        for b in range(2):
            wait_store(b)

    return gather_kernel


def kernel(x, table):
    B0, H = x.shape
    V, D = table.shape
    xf = x.reshape(-1).astype(jnp.int32)
    t2 = lax.optimization_barrier(table).reshape(V // 2, 2 * D)
    return _make_gather(B0, H, V // 2, D)(xf, t2)

# --- scband reference (transcript-rebuilt; emitter-appended) ---
"""Pipeline reference for scband-token-embeddings-13778255085611 (READ-ONLY COPY).

The authoritative reference and input builder live on the scoring server;
editing this copy changes nothing except your own understanding.
"""

import jax, jax.numpy as jnp
import numpy as np

VOCAB = 1000000
EMBED_DIM = 64
BATCH = 16384
HIST = 200

def setup_inputs(seed: int = 0) -> dict:
    key = jax.random.key(seed)
    k_idx, k_tab = jax.random.split(key)
    x = jax.random.randint(k_idx, (BATCH, HIST), 0, VOCAB, dtype=jnp.int64 if jax.config.jax_enable_x64 else jnp.int32)
    table = jax.random.normal(k_tab, (VOCAB, EMBED_DIM), dtype=jnp.float32) * (1.0 / np.sqrt(EMBED_DIM))
    return {"x": x, "table": table}

def reference(x, table):
    # nn.Embedding forward: gather rows of the table by index
    return jnp.take(table, x, axis=0)

if __name__ == "__main__":
    import jax
    _d = setup_inputs()
    print(jax.jit(kernel)(*tuple(_d.values())))

</pallas_src>

<mosaic_0001>
#map = affine_map<(d0, d1) -> (0)>
#map1 = affine_map<(d0, d1) -> (0, 0)>
#map2 = affine_map<(d0, d1) -> (0, 0, 0)>
module attributes {stable_mosaic.version = 14 : i64} {
  func.func @gather_kernel(%arg0: i32, %arg1: i32, %arg2: memref<3276800xi32, #tpu.memory_space<hbm>>, %arg3: memref<500000x128xf32, #tpu.memory_space<hbm>>, %arg4: memref<16384x200x64xf32, #tpu.memory_space<hbm>>, %arg5: memref<200xi32, #tpu.memory_space<vmem>>, %arg6: memref<200xi32, #tpu.memory_space<vmem>>, %arg7: memref<200xi32, #tpu.memory_space<vmem>>, %arg8: memref<200xi32, #tpu.memory_space<vmem>>, %arg9: memref<200xi32, #tpu.memory_space<vmem>>, %arg10: memref<200xi32, #tpu.memory_space<vmem>>, %arg11: memref<200x128xf32, #tpu.memory_space<vmem>>, %arg12: memref<200x128xf32, #tpu.memory_space<vmem>>, %arg13: memref<1x200x64xf32, #tpu.memory_space<vmem>>, %arg14: memref<1x200x64xf32, #tpu.memory_space<vmem>>, %arg15: memref<!tpu.dma_semaphore, #tpu.memory_space<semaphore_mem>>, %arg16: memref<!tpu.dma_semaphore, #tpu.memory_space<semaphore_mem>>, %arg17: memref<!tpu.dma_semaphore, #tpu.memory_space<semaphore_mem>>, %arg18: memref<!tpu.dma_semaphore, #tpu.memory_space<semaphore_mem>>) attributes {dimension_semantics = [#tpu.dimension_semantics<core_parallel>, #tpu.dimension_semantics<subcore_parallel>], iteration_bounds = array<i64: 2, 16>, scalar_prefetch = 0 : i64, scratch_operands = 14 : i64, tpu.core_type = #tpu.core_type<sc_vector_subcore>, window_params = [{transform_indices = #map}, {transform_indices = #map1}, {transform_indices = #map2}]} {
    %mul3A = arith.constant 2 : i32
    %mul3A_0 = arith.muli %arg1, %mul3A : i32
    %add3A = arith.addi %mul3A_0, %arg0 : i32
    %mul3A_1 = arith.constant 512 : i32
    %mul3A_2 = arith.muli %add3A, %mul3A_1 : i32
    %mul3A_3 = arith.constant 200 : i32
    %mul3A_4 = arith.muli %mul3A_2, %mul3A_3 : i32
    %add3A_5 = arith.constant 0 : i32
    %add3A_6 = arith.addi %mul3A_4, %add3A_5 : i32
    "tpu.region"() ({
      %run_scoped3A = tpu.sem_alloc : memref<!tpu.dma_semaphore, #tpu.memory_space<semaphore_mem>>
      %dma_start3A_109 = tpu.memref_slice %arg2[%add3A_6] : memref<3276800xi32, #tpu.memory_space<hbm>> -> memref<200xi32, #tpu.memory_space<hbm>>
      %dma_start3A_110 = tpu.memref_slice %arg2[%add3A_6] : memref<3276800xi32, #tpu.memory_space<hbm>> -> memref<200xi32, #tpu.memory_space<hbm>>
      tpu.enqueue_dma source(%dma_start3A_110 : memref<200xi32, #tpu.memory_space<hbm>>) target(%arg5 : memref<200xi32, #tpu.memory_space<vmem>>) target_semaphore(%run_scoped3A : memref<!tpu.dma_semaphore, #tpu.memory_space<semaphore_mem>>)
      %dma_wait3A_111 = tpu.memref_slice %arg2[%add3A_6] : memref<3276800xi32, #tpu.memory_space<hbm>> -> memref<200xi32, #tpu.memory_space<hbm>>
      %dma_wait3A_112 = tpu.memref_slice %arg2[%add3A_6] : memref<3276800xi32, #tpu.memory_space<hbm>> -> memref<200xi32, #tpu.memory_space<hbm>>
      tpu.wait_dma2 semaphore(%run_scoped3A : memref<!tpu.dma_semaphore, #tpu.memory_space<semaphore_mem>>) src(%dma_wait3A_112 : memref<200xi32, #tpu.memory_space<hbm>>) dst(%arg5 : memref<200xi32, #tpu.memory_space<vmem>>)
      tpu.yield
    }) : () -> ()
    %scan3A = arith.constant 0 : i32
    %scan3A_7 = arith.constant 0 : i32
    %scan3A_8 = arith.constant 12 : i32
    %scan3A_9 = arith.addi %scan3A_7, %scan3A_8 : i32
    %scan3A_10 = arith.constant 1 : i32
    scf.for %scan3A_109 = %scan3A_7 to %scan3A_9 step %scan3A_10  : i32 {
      %mul3A_110 = arith.constant 16 : i32
      %mul3A_111 = arith.muli %scan3A_109, %mul3A_110 : i32
      %get3A_112 = arith.index_cast %mul3A_111 : i32 to index
      %get3A_113 = tpu.vector_load %arg5[%get3A_112] {strides = array<i32>} : memref<200xi32, #tpu.memory_space<vmem>>, vector<16xi32>,
      %shift_right_logical3A_114 = arith.constant 1 : i32
      %shift_right_logical3A_115 = vector.broadcast %shift_right_logical3A_114 : i32 to vector<16xi32>
      %shift_right_logical3A_116 = arith.shrui %get3A_113, %shift_right_logical3A_115 : vector<16xi32>
      %mul3A_117 = arith.constant 16 : i32
      %mul3A_118 = arith.muli %scan3A_109, %mul3A_117 : i32
      %swap3A_119 = arith.index_cast %mul3A_118 : i32 to index
      %swap3A_120 = tpu.vector_load %arg7[%swap3A_119] {strides = array<i32>} : memref<200xi32, #tpu.memory_space<vmem>>, vector<16xi32>,
      tpu.vector_store %arg7[%swap3A_119], %shift_right_logical3A_116 {strides = array<i32>} : memref<200xi32, #tpu.memory_space<vmem>>, vector<16xi32>,
      %and3A_121 = arith.constant 1 : i32
      %and3A_122 = vector.broadcast %and3A_121 : i32 to vector<16xi32>
      %and3A_123 = arith.andi %get3A_113, %and3A_122 : vector<16xi32>
      %mul3A_124 = arith.constant 64 : i32
      %mul3A_125 = vector.broadcast %mul3A_124 : i32 to vector<16xi32>
      %mul3A_126 = arith.muli %and3A_123, %mul3A_125 : vector<16xi32>
      %mul3A_127 = arith.constant 16 : i32
      %mul3A_128 = arith.muli %scan3A_109, %mul3A_127 : i32
      %swap3A_129 = arith.index_cast %mul3A_128 : i32 to index
      %swap3A_130 = tpu.vector_load %arg9[%swap3A_129] {strides = array<i32>} : memref<200xi32, #tpu.memory_space<vmem>>, vector<16xi32>,
      tpu.vector_store %arg9[%swap3A_129], %mul3A_126 {strides = array<i32>} : memref<200xi32, #tpu.memory_space<vmem>>, vector<16xi32>,
    }
    %scan3A_11 = arith.constant 12 : i32
    %get3A = arith.constant 184 : index
    %get3A_12 = tpu.vector_load %arg5[%get3A] {strides = array<i32>} : memref<200xi32, #tpu.memory_space<vmem>>, vector<16xi32>,
    %shift_right_logical3A = arith.constant 1 : i32
    %shift_right_logical3A_13 = vector.broadcast %shift_right_logical3A : i32 to vector<16xi32>
    %shift_right_logical3A_14 = arith.shrui %get3A_12, %shift_right_logical3A_13 : vector<16xi32>
    %swap3A = arith.constant 184 : index
    %swap3A_15 = tpu.vector_load %arg7[%swap3A] {strides = array<i32>} : memref<200xi32, #tpu.memory_space<vmem>>, vector<16xi32>,
    tpu.vector_store %arg7[%swap3A], %shift_right_logical3A_14 {strides = array<i32>} : memref<200xi32, #tpu.memory_space<vmem>>, vector<16xi32>,
    %and3A = arith.constant 1 : i32
    %and3A_16 = vector.broadcast %and3A : i32 to vector<16xi32>
    %and3A_17 = arith.andi %get3A_12, %and3A_16 : vector<16xi32>
    %mul3A_18 = arith.constant 64 : i32
    %mul3A_19 = vector.broadcast %mul3A_18 : i32 to vector<16xi32>
    %mul3A_20 = arith.muli %and3A_17, %mul3A_19 : vector<16xi32>
    %swap3A_21 = arith.constant 184 : index
    %swap3A_22 = tpu.vector_load %arg9[%swap3A_21] {strides = array<i32>} : memref<200xi32, #tpu.memory_space<vmem>>, vector<16xi32>,
    tpu.vector_store %arg9[%swap3A_21], %mul3A_20 {strides = array<i32>} : memref<200xi32, #tpu.memory_space<vmem>>, vector<16xi32>,
    %dma_start3A = arith.constant 0 : i32
    %dma_start3A_23 = arith.constant 0 : i32
    %dma_start3A_24 = tpu.memref_slice %arg3[%dma_start3A, %dma_start3A_23] : memref<500000x128xf32, #tpu.memory_space<hbm>> -> memref<500000x128xf32, #tpu.memory_space<hbm>>
    tpu.enqueue_indirect_dma source(%dma_start3A_24 : memref<500000x128xf32, #tpu.memory_space<hbm>>) target(%arg11 : memref<200x128xf32, #tpu.memory_space<vmem>>) offsets(%arg7 : memref<200xi32, #tpu.memory_space<vmem>>) semaphore(%arg15 : memref<!tpu.dma_semaphore, #tpu.memory_space<semaphore_mem>>)
    %add3A_25 = arith.constant 200 : i32
    %add3A_26 = arith.addi %mul3A_4, %add3A_25 : i32
    "tpu.region"() ({
      %run_scoped3A = tpu.sem_alloc : memref<!tpu.dma_semaphore, #tpu.memory_space<semaphore_mem>>
      %dma_start3A_109 = tpu.memref_slice %arg2[%add3A_26] : memref<3276800xi32, #tpu.memory_space<hbm>> -> memref<200xi32, #tpu.memory_space<hbm>>
      %dma_start3A_110 = tpu.memref_slice %arg2[%add3A_26] : memref<3276800xi32, #tpu.memory_space<hbm>> -> memref<200xi32, #tpu.memory_space<hbm>>
      tpu.enqueue_dma source(%dma_start3A_110 : memref<200xi32, #tpu.memory_space<hbm>>) target(%arg6 : memref<200xi32, #tpu.memory_space<vmem>>) target_semaphore(%run_scoped3A : memref<!tpu.dma_semaphore, #tpu.memory_space<semaphore_mem>>)
      %dma_wait3A_111 = tpu.memref_slice %arg2[%add3A_26] : memref<3276800xi32, #tpu.memory_space<hbm>> -> memref<200xi32, #tpu.memory_space<hbm>>
      %dma_wait3A_112 = tpu.memref_slice %arg2[%add3A_26] : memref<3276800xi32, #tpu.memory_space<hbm>> -> memref<200xi32, #tpu.memory_space<hbm>>
      tpu.wait_dma2 semaphore(%run_scoped3A : memref<!tpu.dma_semaphore, #tpu.memory_space<semaphore_mem>>) src(%dma_wait3A_112 : memref<200xi32, #tpu.memory_space<hbm>>) dst(%arg6 : memref<200xi32, #tpu.memory_space<vmem>>)
      tpu.yield
    }) : () -> ()
    %scan3A_27 = arith.constant 0 : i32
    %scan3A_28 = arith.constant 0 : i32
    %scan3A_29 = arith.constant 12 : i32
    %scan3A_30 = arith.addi %scan3A_28, %scan3A_29 : i32
    %scan3A_31 = arith.constant 1 : i32
    scf.for %scan3A_109 = %scan3A_28 to %scan3A_30 step %scan3A_31  : i32 {
      %mul3A_110 = arith.constant 16 : i32
      %mul3A_111 = arith.muli %scan3A_109, %mul3A_110 : i32
      %get3A_112 = arith.index_cast %mul3A_111 : i32 to index
      %get3A_113 = tpu.vector_load %arg6[%get3A_112] {strides = array<i32>} : memref<200xi32, #tpu.memory_space<vmem>>, vector<16xi32>,
      %shift_right_logical3A_114 = arith.constant 1 : i32
      %shift_right_logical3A_115 = vector.broadcast %shift_right_logical3A_114 : i32 to vector<16xi32>
      %shift_right_logical3A_116 = arith.shrui %get3A_113, %shift_right_logical3A_115 : vector<16xi32>
      %mul3A_117 = arith.constant 16 : i32
      %mul3A_118 = arith.muli %scan3A_109, %mul3A_117 : i32
      %swap3A_119 = arith.index_cast %mul3A_118 : i32 to index
      %swap3A_120 = tpu.vector_load %arg8[%swap3A_119] {strides = array<i32>} : memref<200xi32, #tpu.memory_space<vmem>>, vector<16xi32>,
      tpu.vector_store %arg8[%swap3A_119], %shift_right_logical3A_116 {strides = array<i32>} : memref<200xi32, #tpu.memory_space<vmem>>, vector<16xi32>,
      %and3A_121 = arith.constant 1 : i32
      %and3A_122 = vector.broadcast %and3A_121 : i32 to vector<16xi32>
      %and3A_123 = arith.andi %get3A_113, %and3A_122 : vector<16xi32>
      %mul3A_124 = arith.constant 64 : i32
      %mul3A_125 = vector.broadcast %mul3A_124 : i32 to vector<16xi32>
      %mul3A_126 = arith.muli %and3A_123, %mul3A_125 : vector<16xi32>
      %mul3A_127 = arith.constant 16 : i32
      %mul3A_128 = arith.muli %scan3A_109, %mul3A_127 : i32
      %swap3A_129 = arith.index_cast %mul3A_128 : i32 to index
      %swap3A_130 = tpu.vector_load %arg10[%swap3A_129] {strides = array<i32>} : memref<200xi32, #tpu.memory_space<vmem>>, vector<16xi32>,
      tpu.vector_store %arg10[%swap3A_129], %mul3A_126 {strides = array<i32>} : memref<200xi32, #tpu.memory_space<vmem>>, vector<16xi32>,
    }
    %scan3A_32 = arith.constant 12 : i32
    %get3A_33 = arith.constant 184 : index
    %get3A_34 = tpu.vector_load %arg6[%get3A_33] {strides = array<i32>} : memref<200xi32, #tpu.memory_space<vmem>>, vector<16xi32>,
    %shift_right_logical3A_35 = arith.constant 1 : i32
    %shift_right_logical3A_36 = vector.broadcast %shift_right_logical3A_35 : i32 to vector<16xi32>
    %shift_right_logical3A_37 = arith.shrui %get3A_34, %shift_right_logical3A_36 : vector<16xi32>
    %swap3A_38 = arith.constant 184 : index
    %swap3A_39 = tpu.vector_load %arg8[%swap3A_38] {strides = array<i32>} : memref<200xi32, #tpu.memory_space<vmem>>, vector<16xi32>,
    tpu.vector_store %arg8[%swap3A_38], %shift_right_logical3A_37 {strides = array<i32>} : memref<200xi32, #tpu.memory_space<vmem>>, vector<16xi32>,
    %and3A_40 = arith.constant 1 : i32
    %and3A_41 = vector.broadcast %and3A_40 : i32 to vector<16xi32>
    %and3A_42 = arith.andi %get3A_34, %and3A_41 : vector<16xi32>
    %mul3A_43 = arith.constant 64 : i32
    %mul3A_44 = vector.broadcast %mul3A_43 : i32 to vector<16xi32>
    %mul3A_45 = arith.muli %and3A_42, %mul3A_44 : vector<16xi32>
    %swap3A_46 = arith.constant 184 : index
    %swap3A_47 = tpu.vector_load %arg10[%swap3A_46] {strides = array<i32>} : memref<200xi32, #tpu.memory_space<vmem>>, vector<16xi32>,
    tpu.vector_store %arg10[%swap3A_46], %mul3A_45 {strides = array<i32>} : memref<200xi32, #tpu.memory_space<vmem>>, vector<16xi32>,
    %dma_start3A_48 = arith.constant 0 : i32
    %dma_start3A_49 = arith.constant 0 : i32
    %dma_start3A_50 = tpu.memref_slice %arg3[%dma_start3A_48, %dma_start3A_49] : memref<500000x128xf32, #tpu.memory_space<hbm>> -> memref<500000x128xf32, #tpu.memory_space<hbm>>
    tpu.enqueue_indirect_dma source(%dma_start3A_50 : memref<500000x128xf32, #tpu.memory_space<hbm>>) target(%arg12 : memref<200x128xf32, #tpu.memory_space<vmem>>) offsets(%arg8 : memref<200xi32, #tpu.memory_space<vmem>>) semaphore(%arg16 : memref<!tpu.dma_semaphore, #tpu.memory_space<semaphore_mem>>)
    %scan3A_51 = arith.constant 0 : i32
    %scan3A_52 = arith.constant 1 : i32
    %scan3A_53 = arith.constant 255 : i32
    %scan3A_54 = arith.addi %scan3A_52, %scan3A_53 : i32
    %scan3A_55 = arith.constant 1 : i32
    scf.for %scan3A_109 = %scan3A_52 to %scan3A_54 step %scan3A_55  : i32 {
      %mul3A_110 = arith.constant 2 : i32
      %mul3A_111 = arith.muli %mul3A_110, %scan3A_109 : i32
      %add3A_112 = arith.constant 0 : i32
      %add3A_113 = arith.addi %mul3A_111, %add3A_112 : i32
      %dma_wait3A_114 = arith.constant 0 : i32
      %dma_wait3A_115 = arith.constant 0 : i32
      %dma_wait3A_116 = tpu.memref_slice %arg3[%dma_wait3A_114, %dma_wait3A_115] : memref<500000x128xf32, #tpu.memory_space<hbm>> -> memref<500000x128xf32, #tpu.memory_space<hbm>>
      tpu.wait_indirect_dma semaphore(%arg15 : memref<!tpu.dma_semaphore, #tpu.memory_space<semaphore_mem>>) src(%dma_wait3A_116 : memref<500000x128xf32, #tpu.memory_space<hbm>>) dst(%arg11 : memref<200x128xf32, #tpu.memory_space<vmem>>)
      %broadcast_in_dim3A_117 = arith.constant 0 : i32
      %broadcast_in_dim3A_118 = vector.broadcast %broadcast_in_dim3A_117 : i32 to vector<16xi32>
      %scan3A_119 = arith.constant 0 : i32
      %scan3A_120 = arith.constant 0 : i32
      %scan3A_121 = arith.constant 13 : i32
      %scan3A_122 = arith.addi %scan3A_120, %scan3A_121 : i32
      %scan3A_123 = arith.constant 1 : i32
      scf.for %scan3A_227 = %scan3A_120 to %scan3A_122 step %scan3A_123  : i32 {
        %mul3A_228 = arith.constant 16 : i32
        %mul3A_229 = arith.muli %scan3A_227, %mul3A_228 : i32
        %iota3A = tpu.iota {dimensions = array<i32: 0>} : vector<16xi32>
        %add3A_230 = vector.broadcast %mul3A_229 : i32 to vector<16xi32>
        %add3A_231 = arith.addi %add3A_230, %iota3A : vector<16xi32>
        %lt3A = arith.constant 200 : i32
        %lt3A_232 = vector.broadcast %lt3A : i32 to vector<16xi32>
        %lt3A_233 = arith.cmpi slt, %add3A_231, %lt3A_232 : vector<16xi32>
        %jit3A = arith.constant 0 : i32
        %broadcast_in_dim3A_234 = vector.broadcast %jit3A : i32 to vector<16xi32>
        %select_n3A = arith.select %lt3A_233, %add3A_231, %broadcast_in_dim3A_234 : vector<16xi1>, vector<16xi32>
        %gather3A = tpu.vector_load_idx %arg9[%select_n3A] : memref<200xi32, #tpu.memory_space<vmem>>[vector<16xi32>], vector<16xi32>,
        %iota3A_235 = tpu.iota {dimensions = array<i32: 0>} : vector<16xi32>
        %add3A_236 = arith.constant 0 : i32
        %add3A_237 = vector.broadcast %add3A_236 : i32 to vector<16xi32>
        %add3A_238 = arith.addi %add3A_237, %iota3A_235 : vector<16xi32>
        %add3A_239 = arith.constant 0 : i32
        %add3A_240 = vector.broadcast %add3A_239 : i32 to vector<16xi32>
        %add3A_241 = arith.addi %gather3A, %add3A_240 : vector<16xi32>
        %gather3A_242 = tpu.vector_load_idx %arg11[%select_n3A, %add3A_241] masked %lt3A_233 : memref<200x128xf32, #tpu.memory_space<vmem>>[vector<16xi32>, vector<16xi32>], vector<16xf32>, vector<16xi1>
        tpu.vector_store_idx %arg13[%broadcast_in_dim3A_118, %select_n3A, %add3A_238], %gather3A_242 masked %lt3A_233 : memref<1x200x64xf32, #tpu.memory_space<vmem>>[vector<16xi32>, vector<16xi32>, vector<16xi32>], vector<16xf32>, vector<16xi1>
        %iota3A_243 = tpu.iota {dimensions = array<i32: 0>} : vector<16xi32>
        %add3A_244 = arith.constant 16 : i32
        %add3A_245 = vector.broadcast %add3A_244 : i32 to vector<16xi32>
        %add3A_246 = arith.addi %add3A_245, %iota3A_243 : vector<16xi32>
        %add3A_247 = arith.constant 16 : i32
        %add3A_248 = vector.broadcast %add3A_247 : i32 to vector<16xi32>
        %add3A_249 = arith.addi %gather3A, %add3A_248 : vector<16xi32>
        %gather3A_250 = tpu.vector_load_idx %arg11[%select_n3A, %add3A_249] masked %lt3A_233 : memref<200x128xf32, #tpu.memory_space<vmem>>[vector<16xi32>, vector<16xi32>], vector<16xf32>, vector<16xi1>
        tpu.vector_store_idx %arg13[%broadcast_in_dim3A_118, %select_n3A, %add3A_246], %gather3A_250 masked %lt3A_233 : memref<1x200x64xf32, #tpu.memory_space<vmem>>[vector<16xi32>, vector<16xi32>, vector<16xi32>], vector<16xf32>, vector<16xi1>
        %iota3A_251 = tpu.iota {dimensions = array<i32: 0>} : vector<16xi32>
        %add3A_252 = arith.constant 32 : i32
        %add3A_253 = vector.broadcast %add3A_252 : i32 to vector<16xi32>
        %add3A_254 = arith.addi %add3A_253, %iota3A_251 : vector<16xi32>
        %add3A_255 = arith.constant 32 : i32
        %add3A_256 = vector.broadcast %add3A_255 : i32 to vector<16xi32>
        %add3A_257 = arith.addi %gather3A, %add3A_256 : vector<16xi32>
        %gather3A_258 = tpu.vector_load_idx %arg11[%select_n3A, %add3A_257] masked %lt3A_233 : memref<200x128xf32, #tpu.memory_space<vmem>>[vector<16xi32>, vector<16xi32>], vector<16xf32>, vector<16xi1>
        tpu.vector_store_idx %arg13[%broadcast_in_dim3A_118, %select_n3A, %add3A_254], %gather3A_258 masked %lt3A_233 : memref<1x200x64xf32, #tpu.memory_space<vmem>>[vector<16xi32>, vector<16xi32>, vector<16xi32>], vector<16xf32>, vector<16xi1>
        %iota3A_259 = tpu.iota {dimensions = array<i32: 0>} : vector<16xi32>
        %add3A_260 = arith.constant 48 : i32
        %add3A_261 = vector.broadcast %add3A_260 : i32 to vector<16xi32>
        %add3A_262 = arith.addi %add3A_261, %iota3A_259 : vector<16xi32>
        %add3A_263 = arith.constant 48 : i32
        %add3A_264 = vector.broadcast %add3A_263 : i32 to vector<16xi32>
        %add3A_265 = arith.addi %gather3A, %add3A_264 : vector<16xi32>
        %gather3A_266 = tpu.vector_load_idx %arg11[%select_n3A, %add3A_265] masked %lt3A_233 : memref<200x128xf32, #tpu.memory_space<vmem>>[vector<16xi32>, vector<16xi32>], vector<16xf32>, vector<16xi1>
        tpu.vector_store_idx %arg13[%broadcast_in_dim3A_118, %select_n3A, %add3A_262], %gather3A_266 masked %lt3A_233 : memref<1x200x64xf32, #tpu.memory_space<vmem>>[vector<16xi32>, vector<16xi32>, vector<16xi32>], vector<16xf32>, vector<16xi1>
      }
      %scan3A_124 = arith.constant 13 : i32
      %sub3A = arith.constant 2 : i32
      %sub3A_125 = arith.subi %add3A_113, %sub3A : i32
      %add3A_126 = arith.addi %mul3A_2, %sub3A_125 : i32
      %dma_start3A_127 = arith.constant 0 : i32
      %dma_start3A_128 = arith.constant 0 : i32
      %dma_start3A_129 = tpu.memref_slice %arg4[%add3A_126, %dma_start3A_127, %dma_start3A_128] : memref<16384x200x64xf32, #tpu.memory_space<hbm>> -> memref<1x200x64xf32, #tpu.memory_space<hbm>>
      %dma_start3A_130 = arith.constant 0 : i32
      %dma_start3A_131 = arith.constant 0 : i32
      %dma_start3A_132 = tpu.memref_slice %arg4[%add3A_126, %dma_start3A_130, %dma_start3A_131] : memref<16384x200x64xf32, #tpu.memory_space<hbm>> -> memref<1x200x64xf32, #tpu.memory_space<hbm>>
      tpu.enqueue_dma source(%arg13 : memref<1x200x64xf32, #tpu.memory_space<vmem>>) target(%dma_start3A_132 : memref<1x200x64xf32, #tpu.memory_space<hbm>>) target_semaphore(%arg17 : memref<!tpu.dma_semaphore, #tpu.memory_space<semaphore_mem>>)
      %dma_wait3A_133 = arith.constant 0 : i32
      %dma_wait3A_134 = arith.constant 0 : i32
      %dma_wait3A_135 = arith.constant 0 : i32
      %dma_wait3A_136 = tpu.memref_slice %arg4[%dma_wait3A_133, %dma_wait3A_134, %dma_wait3A_135] : memref<16384x200x64xf32, #tpu.memory_space<hbm>> -> memref<1x200x64xf32, #tpu.memory_space<hbm>>
      %dma_wait3A_137 = arith.constant 0 : i32
      %dma_wait3A_138 = arith.constant 0 : i32
      %dma_wait3A_139 = arith.constant 0 : i32
      %dma_wait3A_140 = tpu.memref_slice %arg4[%dma_wait3A_137, %dma_wait3A_138, %dma_wait3A_139] : memref<16384x200x64xf32, #tpu.memory_space<hbm>> -> memref<1x200x64xf32, #tpu.memory_space<hbm>>
      tpu.wait_dma2 semaphore(%arg17 : memref<!tpu.dma_semaphore, #tpu.memory_space<semaphore_mem>>) src(%arg13 : memref<1x200x64xf32, #tpu.memory_space<vmem>>) dst(%dma_wait3A_140 : memref<1x200x64xf32, #tpu.memory_space<hbm>>)
      %mul3A_141 = arith.constant 200 : i32
      %mul3A_142 = arith.muli %add3A_113, %mul3A_141 : i32
      %add3A_143 = arith.addi %mul3A_4, %mul3A_142 : i32
      "tpu.region"() ({
        %run_scoped3A = tpu.sem_alloc : memref<!tpu.dma_semaphore, #tpu.memory_space<semaphore_mem>>
        %dma_start3A_227 = tpu.memref_slice %arg2[%add3A_143] : memref<3276800xi32, #tpu.memory_space<hbm>> -> memref<200xi32, #tpu.memory_space<hbm>>
        %dma_start3A_228 = tpu.memref_slice %arg2[%add3A_143] : memref<3276800xi32, #tpu.memory_space<hbm>> -> memref<200xi32, #tpu.memory_space<hbm>>
        tpu.enqueue_dma source(%dma_start3A_228 : memref<200xi32, #tpu.memory_space<hbm>>) target(%arg5 : memref<200xi32, #tpu.memory_space<vmem>>) target_semaphore(%run_scoped3A : memref<!tpu.dma_semaphore, #tpu.memory_space<semaphore_mem>>)
        %dma_wait3A_229 = tpu.memref_slice %arg2[%add3A_143] : memref<3276800xi32, #tpu.memory_space<hbm>> -> memref<200xi32, #tpu.memory_space<hbm>>
        %dma_wait3A_230 = tpu.memref_slice %arg2[%add3A_143] : memref<3276800xi32, #tpu.memory_space<hbm>> -> memref<200xi32, #tpu.memory_space<hbm>>
        tpu.wait_dma2 semaphore(%run_scoped3A : memref<!tpu.dma_semaphore, #tpu.memory_space<semaphore_mem>>) src(%dma_wait3A_230 : memref<200xi32, #tpu.memory_space<hbm>>) dst(%arg5 : memref<200xi32, #tpu.memory_space<vmem>>)
        tpu.yield
      }) : () -> ()
      %scan3A_144 = arith.constant 0 : i32
      %scan3A_145 = arith.constant 0 : i32
      %scan3A_146 = arith.constant 12 : i32
      %scan3A_147 = arith.addi %scan3A_145, %scan3A_146 : i32
      %scan3A_148 = arith.constant 1 : i32
      scf.for %scan3A_227 = %scan3A_145 to %scan3A_147 step %scan3A_148  : i32 {
        %mul3A_228 = arith.constant 16 : i32
        %mul3A_229 = arith.muli %scan3A_227, %mul3A_228 : i32
        %get3A_230 = arith.index_cast %mul3A_229 : i32 to index
        %get3A_231 = tpu.vector_load %arg5[%get3A_230] {strides = array<i32>} : memref<200xi32, #tpu.memory_space<vmem>>, vector<16xi32>,
        %shift_right_logical3A_232 = arith.constant 1 : i32
        %shift_right_logical3A_233 = vector.broadcast %shift_right_logical3A_232 : i32 to vector<16xi32>
        %shift_right_logical3A_234 = arith.shrui %get3A_231, %shift_right_logical3A_233 : vector<16xi32>
        %mul3A_235 = arith.constant 16 : i32
        %mul3A_236 = arith.muli %scan3A_227, %mul3A_235 : i32
        %swap3A_237 = arith.index_cast %mul3A_236 : i32 to index
        %swap3A_238 = tpu.vector_load %arg7[%swap3A_237] {strides = array<i32>} : memref<200xi32, #tpu.memory_space<vmem>>, vector<16xi32>,
        tpu.vector_store %arg7[%swap3A_237], %shift_right_logical3A_234 {strides = array<i32>} : memref<200xi32, #tpu.memory_space<vmem>>, vector<16xi32>,
        %and3A_239 = arith.constant 1 : i32
        %and3A_240 = vector.broadcast %and3A_239 : i32 to vector<16xi32>
        %and3A_241 = arith.andi %get3A_231, %and3A_240 : vector<16xi32>
        %mul3A_242 = arith.constant 64 : i32
        %mul3A_243 = vector.broadcast %mul3A_242 : i32 to vector<16xi32>
        %mul3A_244 = arith.muli %and3A_241, %mul3A_243 : vector<16xi32>
        %mul3A_245 = arith.constant 16 : i32
        %mul3A_246 = arith.muli %scan3A_227, %mul3A_245 : i32
        %swap3A_247 = arith.index_cast %mul3A_246 : i32 to index
        %swap3A_248 = tpu.vector_load %arg9[%swap3A_247] {strides = array<i32>} : memref<200xi32, #tpu.memory_space<vmem>>, vector<16xi32>,
        tpu.vector_store %arg9[%swap3A_247], %mul3A_244 {strides = array<i32>} : memref<200xi32, #tpu.memory_space<vmem>>, vector<16xi32>,
      }
      %scan3A_149 = arith.constant 12 : i32
      %get3A_150 = arith.constant 184 : index
      %get3A_151 = tpu.vector_load %arg5[%get3A_150] {strides = array<i32>} : memref<200xi32, #tpu.memory_space<vmem>>, vector<16xi32>,
      %shift_right_logical3A_152 = arith.constant 1 : i32
      %shift_right_logical3A_153 = vector.broadcast %shift_right_logical3A_152 : i32 to vector<16xi32>
      %shift_right_logical3A_154 = arith.shrui %get3A_151, %shift_right_logical3A_153 : vector<16xi32>
      %swap3A_155 = arith.constant 184 : index
      %swap3A_156 = tpu.vector_load %arg7[%swap3A_155] {strides = array<i32>} : memref<200xi32, #tpu.memory_space<vmem>>, vector<16xi32>,
      tpu.vector_store %arg7[%swap3A_155], %shift_right_logical3A_154 {strides = array<i32>} : memref<200xi32, #tpu.memory_space<vmem>>, vector<16xi32>,
      %and3A_157 = arith.constant 1 : i32
      %and3A_158 = vector.broadcast %and3A_157 : i32 to vector<16xi32>
      %and3A_159 = arith.andi %get3A_151, %and3A_158 : vector<16xi32>
      %mul3A_160 = arith.constant 64 : i32
      %mul3A_161 = vector.broadcast %mul3A_160 : i32 to vector<16xi32>
      %mul3A_162 = arith.muli %and3A_159, %mul3A_161 : vector<16xi32>
      %swap3A_163 = arith.constant 184 : index
      %swap3A_164 = tpu.vector_load %arg9[%swap3A_163] {strides = array<i32>} : memref<200xi32, #tpu.memory_space<vmem>>, vector<16xi32>,
      tpu.vector_store %arg9[%swap3A_163], %mul3A_162 {strides = array<i32>} : memref<200xi32, #tpu.memory_space<vmem>>, vector<16xi32>,
      %dma_start3A_165 = arith.constant 0 : i32
      %dma_start3A_166 = arith.constant 0 : i32
      %dma_start3A_167 = tpu.memref_slice %arg3[%dma_start3A_165, %dma_start3A_166] : memref<500000x128xf32, #tpu.memory_space<hbm>> -> memref<500000x128xf32, #tpu.memory_space<hbm>>
      tpu.enqueue_indirect_dma source(%dma_start3A_167 : memref<500000x128xf32, #tpu.memory_space<hbm>>) target(%arg11 : memref<200x128xf32, #tpu.memory_space<vmem>>) offsets(%arg7 : memref<200xi32, #tpu.memory_space<vmem>>) semaphore(%arg15 : memref<!tpu.dma_semaphore, #tpu.memory_space<semaphore_mem>>)
      %mul3A_168 = arith.constant 2 : i32
      %mul3A_169 = arith.muli %mul3A_168, %scan3A_109 : i32
      %add3A_170 = arith.constant 1 : i32
      %add3A_171 = arith.addi %mul3A_169, %add3A_170 : i32
      %dma_wait3A_172 = arith.constant 0 : i32
      %dma_wait3A_173 = arith.constant 0 : i32
      %dma_wait3A_174 = tpu.memref_slice %arg3[%dma_wait3A_172, %dma_wait3A_173] : memref<500000x128xf32, #tpu.memory_space<hbm>> -> memref<500000x128xf32, #tpu.memory_space<hbm>>
      tpu.wait_indirect_dma semaphore(%arg16 : memref<!tpu.dma_semaphore, #tpu.memory_space<semaphore_mem>>) src(%dma_wait3A_174 : memref<500000x128xf32, #tpu.memory_space<hbm>>) dst(%arg12 : memref<200x128xf32, #tpu.memory_space<vmem>>)
      %broadcast_in_dim3A_175 = arith.constant 0 : i32
      %broadcast_in_dim3A_176 = vector.broadcast %broadcast_in_dim3A_175 : i32 to vector<16xi32>
      %scan3A_177 = arith.constant 0 : i32
      %scan3A_178 = arith.constant 0 : i32
      %scan3A_179 = arith.constant 13 : i32
      %scan3A_180 = arith.addi %scan3A_178, %scan3A_179 : i32
      %scan3A_181 = arith.constant 1 : i32
      scf.for %scan3A_227 = %scan3A_178 to %scan3A_180 step %scan3A_181  : i32 {
        %mul3A_228 = arith.constant 16 : i32
        %mul3A_229 = arith.muli %scan3A_227, %mul3A_228 : i32
        %iota3A = tpu.iota {dimensions = array<i32: 0>} : vector<16xi32>
        %add3A_230 = vector.broadcast %mul3A_229 : i32 to vector<16xi32>
        %add3A_231 = arith.addi %add3A_230, %iota3A : vector<16xi32>
        %lt3A = arith.constant 200 : i32
        %lt3A_232 = vector.broadcast %lt3A : i32 to vector<16xi32>
        %lt3A_233 = arith.cmpi slt, %add3A_231, %lt3A_232 : vector<16xi32>
        %jit3A = arith.constant 0 : i32
        %broadcast_in_dim3A_234 = vector.broadcast %jit3A : i32 to vector<16xi32>
        %select_n3A = arith.select %lt3A_233, %add3A_231, %broadcast_in_dim3A_234 : vector<16xi1>, vector<16xi32>
        %gather3A = tpu.vector_load_idx %arg10[%select_n3A] : memref<200xi32, #tpu.memory_space<vmem>>[vector<16xi32>], vector<16xi32>,
        %iota3A_235 = tpu.iota {dimensions = array<i32: 0>} : vector<16xi32>
        %add3A_236 = arith.constant 0 : i32
        %add3A_237 = vector.broadcast %add3A_236 : i32 to vector<16xi32>
        %add3A_238 = arith.addi %add3A_237, %iota3A_235 : vector<16xi32>
        %add3A_239 = arith.constant 0 : i32
        %add3A_240 = vector.broadcast %add3A_239 : i32 to vector<16xi32>
        %add3A_241 = arith.addi %gather3A, %add3A_240 : vector<16xi32>
        %gather3A_242 = tpu.vector_load_idx %arg12[%select_n3A, %add3A_241] masked %lt3A_233 : memref<200x128xf32, #tpu.memory_space<vmem>>[vector<16xi32>, vector<16xi32>], vector<16xf32>, vector<16xi1>
        tpu.vector_store_idx %arg14[%broadcast_in_dim3A_176, %select_n3A, %add3A_238], %gather3A_242 masked %lt3A_233 : memref<1x200x64xf32, #tpu.memory_space<vmem>>[vector<16xi32>, vector<16xi32>, vector<16xi32>], vector<16xf32>, vector<16xi1>
        %iota3A_243 = tpu.iota {dimensions = array<i32: 0>} : vector<16xi32>
        %add3A_244 = arith.constant 16 : i32
        %add3A_245 = vector.broadcast %add3A_244 : i32 to vector<16xi32>
        %add3A_246 = arith.addi %add3A_245, %iota3A_243 : vector<16xi32>
        %add3A_247 = arith.constant 16 : i32
        %add3A_248 = vector.broadcast %add3A_247 : i32 to vector<16xi32>
        %add3A_249 = arith.addi %gather3A, %add3A_248 : vector<16xi32>
        %gather3A_250 = tpu.vector_load_idx %arg12[%select_n3A, %add3A_249] masked %lt3A_233 : memref<200x128xf32, #tpu.memory_space<vmem>>[vector<16xi32>, vector<16xi32>], vector<16xf32>, vector<16xi1>
        tpu.vector_store_idx %arg14[%broadcast_in_dim3A_176, %select_n3A, %add3A_246], %gather3A_250 masked %lt3A_233 : memref<1x200x64xf32, #tpu.memory_space<vmem>>[vector<16xi32>, vector<16xi32>, vector<16xi32>], vector<16xf32>, vector<16xi1>
        %iota3A_251 = tpu.iota {dimensions = array<i32: 0>} : vector<16xi32>
        %add3A_252 = arith.constant 32 : i32
        %add3A_253 = vector.broadcast %add3A_252 : i32 to vector<16xi32>
        %add3A_254 = arith.addi %add3A_253, %iota3A_251 : vector<16xi32>
        %add3A_255 = arith.constant 32 : i32
        %add3A_256 = vector.broadcast %add3A_255 : i32 to vector<16xi32>
        %add3A_257 = arith.addi %gather3A, %add3A_256 : vector<16xi32>
        %gather3A_258 = tpu.vector_load_idx %arg12[%select_n3A, %add3A_257] masked %lt3A_233 : memref<200x128xf32, #tpu.memory_space<vmem>>[vector<16xi32>, vector<16xi32>], vector<16xf32>, vector<16xi1>
        tpu.vector_store_idx %arg14[%broadcast_in_dim3A_176, %select_n3A, %add3A_254], %gather3A_258 masked %lt3A_233 : memref<1x200x64xf32, #tpu.memory_space<vmem>>[vector<16xi32>, vector<16xi32>, vector<16xi32>], vector<16xf32>, vector<16xi1>
        %iota3A_259 = tpu.iota {dimensions = array<i32: 0>} : vector<16xi32>
        %add3A_260 = arith.constant 48 : i32
        %add3A_261 = vector.broadcast %add3A_260 : i32 to vector<16xi32>
        %add3A_262 = arith.addi %add3A_261, %iota3A_259 : vector<16xi32>
        %add3A_263 = arith.constant 48 : i32
        %add3A_264 = vector.broadcast %add3A_263 : i32 to vector<16xi32>
        %add3A_265 = arith.addi %gather3A, %add3A_264 : vector<16xi32>
        %gather3A_266 = tpu.vector_load_idx %arg12[%select_n3A, %add3A_265] masked %lt3A_233 : memref<200x128xf32, #tpu.memory_space<vmem>>[vector<16xi32>, vector<16xi32>], vector<16xf32>, vector<16xi1>
        tpu.vector_store_idx %arg14[%broadcast_in_dim3A_176, %select_n3A, %add3A_262], %gather3A_266 masked %lt3A_233 : memref<1x200x64xf32, #tpu.memory_space<vmem>>[vector<16xi32>, vector<16xi32>, vector<16xi32>], vector<16xf32>, vector<16xi1>
      }
      %scan3A_182 = arith.constant 13 : i32
      %sub3A_183 = arith.constant 2 : i32
      %sub3A_184 = arith.subi %add3A_171, %sub3A_183 : i32
      %add3A_185 = arith.addi %mul3A_2, %sub3A_184 : i32
      %dma_start3A_186 = arith.constant 0 : i32
      %dma_start3A_187 = arith.constant 0 : i32
      %dma_start3A_188 = tpu.memref_slice %arg4[%add3A_185, %dma_start3A_186, %dma_start3A_187] : memref<16384x200x64xf32, #tpu.memory_space<hbm>> -> memref<1x200x64xf32, #tpu.memory_space<hbm>>
      %dma_start3A_189 = arith.constant 0 : i32
      %dma_start3A_190 = arith.constant 0 : i32
      %dma_start3A_191 = tpu.memref_slice %arg4[%add3A_185, %dma_start3A_189, %dma_start3A_190] : memref<16384x200x64xf32, #tpu.memory_space<hbm>> -> memref<1x200x64xf32, #tpu.memory_space<hbm>>
      tpu.enqueue_dma source(%arg14 : memref<1x200x64xf32, #tpu.memory_space<vmem>>) target(%dma_start3A_191 : memref<1x200x64xf32, #tpu.memory_space<hbm>>) target_semaphore(%arg18 : memref<!tpu.dma_semaphore, #tpu.memory_space<semaphore_mem>>)
      %dma_wait3A_192 = arith.constant 0 : i32
      %dma_wait3A_193 = arith.constant 0 : i32
      %dma_wait3A_194 = arith.constant 0 : i32
      %dma_wait3A_195 = tpu.memref_slice %arg4[%dma_wait3A_192, %dma_wait3A_193, %dma_wait3A_194] : memref<16384x200x64xf32, #tpu.memory_space<hbm>> -> memref<1x200x64xf32, #tpu.memory_space<hbm>>
      %dma_wait3A_196 = arith.constant 0 : i32
      %dma_wait3A_197 = arith.constant 0 : i32
      %dma_wait3A_198 = arith.constant 0 : i32
      %dma_wait3A_199 = tpu.memref_slice %arg4[%dma_wait3A_196, %dma_wait3A_197, %dma_wait3A_198] : memref<16384x200x64xf32, #tpu.memory_space<hbm>> -> memref<1x200x64xf32, #tpu.memory_space<hbm>>
      tpu.wait_dma2 semaphore(%arg18 : memref<!tpu.dma_semaphore, #tpu.memory_space<semaphore_mem>>) src(%arg14 : memref<1x200x64xf32, #tpu.memory_space<vmem>>) dst(%dma_wait3A_199 : memref<1x200x64xf32, #tpu.memory_space<hbm>>)
      %mul3A_200 = arith.constant 200 : i32
      %mul3A_201 = arith.muli %add3A_171, %mul3A_200 : i32
      %add3A_202 = arith.addi %mul3A_4, %mul3A_201 : i32
      "tpu.region"() ({
        %run_scoped3A = tpu.sem_alloc : memref<!tpu.dma_semaphore, #tpu.memory_space<semaphore_mem>>
        %dma_start3A_227 = tpu.memref_slice %arg2[%add3A_202] : memref<3276800xi32, #tpu.memory_space<hbm>> -> memref<200xi32, #tpu.memory_space<hbm>>
        %dma_start3A_228 = tpu.memref_slice %arg2[%add3A_202] : memref<3276800xi32, #tpu.memory_space<hbm>> -> memref<200xi32, #tpu.memory_space<hbm>>
        tpu.enqueue_dma source(%dma_start3A_228 : memref<200xi32, #tpu.memory_space<hbm>>) target(%arg6 : memref<200xi32, #tpu.memory_space<vmem>>) target_semaphore(%run_scoped3A : memref<!tpu.dma_semaphore, #tpu.memory_space<semaphore_mem>>)
        %dma_wait3A_229 = tpu.memref_slice %arg2[%add3A_202] : memref<3276800xi32, #tpu.memory_space<hbm>> -> memref<200xi32, #tpu.memory_space<hbm>>
        %dma_wait3A_230 = tpu.memref_slice %arg2[%add3A_202] : memref<3276800xi32, #tpu.memory_space<hbm>> -> memref<200xi32, #tpu.memory_space<hbm>>
        tpu.wait_dma2 semaphore(%run_scoped3A : memref<!tpu.dma_semaphore, #tpu.memory_space<semaphore_mem>>) src(%dma_wait3A_230 : memref<200xi32, #tpu.memory_space<hbm>>) dst(%arg6 : memref<200xi32, #tpu.memory_space<vmem>>)
        tpu.yield
      }) : () -> ()
      %scan3A_203 = arith.constant 0 : i32
      %scan3A_204 = arith.constant 0 : i32
      %scan3A_205 = arith.constant 12 : i32
      %scan3A_206 = arith.addi %scan3A_204, %scan3A_205 : i32
      %scan3A_207 = arith.constant 1 : i32
      scf.for %scan3A_227 = %scan3A_204 to %scan3A_206 step %scan3A_207  : i32 {
        %mul3A_228 = arith.constant 16 : i32
        %mul3A_229 = arith.muli %scan3A_227, %mul3A_228 : i32
        %get3A_230 = arith.index_cast %mul3A_229 : i32 to index
        %get3A_231 = tpu.vector_load %arg6[%get3A_230] {strides = array<i32>} : memref<200xi32, #tpu.memory_space<vmem>>, vector<16xi32>,
        %shift_right_logical3A_232 = arith.constant 1 : i32
        %shift_right_logical3A_233 = vector.broadcast %shift_right_logical3A_232 : i32 to vector<16xi32>
        %shift_right_logical3A_234 = arith.shrui %get3A_231, %shift_right_logical3A_233 : vector<16xi32>
        %mul3A_235 = arith.constant 16 : i32
        %mul3A_236 = arith.muli %scan3A_227, %mul3A_235 : i32
        %swap3A_237 = arith.index_cast %mul3A_236 : i32 to index
        %swap3A_238 = tpu.vector_load %arg8[%swap3A_237] {strides = array<i32>} : memref<200xi32, #tpu.memory_space<vmem>>, vector<16xi32>,
        tpu.vector_store %arg8[%swap3A_237], %shift_right_logical3A_234 {strides = array<i32>} : memref<200xi32, #tpu.memory_space<vmem>>, vector<16xi32>,
        %and3A_239 = arith.constant 1 : i32
        %and3A_240 = vector.broadcast %and3A_239 : i32 to vector<16xi32>
        %and3A_241 = arith.andi %get3A_231, %and3A_240 : vector<16xi32>
        %mul3A_242 = arith.constant 64 : i32
        %mul3A_243 = vector.broadcast %mul3A_242 : i32 to vector<16xi32>
        %mul3A_244 = arith.muli %and3A_241, %mul3A_243 : vector<16xi32>
        %mul3A_245 = arith.constant 16 : i32
        %mul3A_246 = arith.muli %scan3A_227, %mul3A_245 : i32
        %swap3A_247 = arith.index_cast %mul3A_246 : i32 to index
        %swap3A_248 = tpu.vector_load %arg10[%swap3A_247] {strides = array<i32>} : memref<200xi32, #tpu.memory_space<vmem>>, vector<16xi32>,
        tpu.vector_store %arg10[%swap3A_247], %mul3A_244 {strides = array<i32>} : memref<200xi32, #tpu.memory_space<vmem>>, vector<16xi32>,
      }
      %scan3A_208 = arith.constant 12 : i32
      %get3A_209 = arith.constant 184 : index
      %get3A_210 = tpu.vector_load %arg6[%get3A_209] {strides = array<i32>} : memref<200xi32, #tpu.memory_space<vmem>>, vector<16xi32>,
      %shift_right_logical3A_211 = arith.constant 1 : i32
      %shift_right_logical3A_212 = vector.broadcast %shift_right_logical3A_211 : i32 to vector<16xi32>
      %shift_right_logical3A_213 = arith.shrui %get3A_210, %shift_right_logical3A_212 : vector<16xi32>
      %swap3A_214 = arith.constant 184 : index
      %swap3A_215 = tpu.vector_load %arg8[%swap3A_214] {strides = array<i32>} : memref<200xi32, #tpu.memory_space<vmem>>, vector<16xi32>,
      tpu.vector_store %arg8[%swap3A_214], %shift_right_logical3A_213 {strides = array<i32>} : memref<200xi32, #tpu.memory_space<vmem>>, vector<16xi32>,
      %and3A_216 = arith.constant 1 : i32
      %and3A_217 = vector.broadcast %and3A_216 : i32 to vector<16xi32>
      %and3A_218 = arith.andi %get3A_210, %and3A_217 : vector<16xi32>
      %mul3A_219 = arith.constant 64 : i32
      %mul3A_220 = vector.broadcast %mul3A_219 : i32 to vector<16xi32>
      %mul3A_221 = arith.muli %and3A_218, %mul3A_220 : vector<16xi32>
      %swap3A_222 = arith.constant 184 : index
      %swap3A_223 = tpu.vector_load %arg10[%swap3A_222] {strides = array<i32>} : memref<200xi32, #tpu.memory_space<vmem>>, vector<16xi32>,
      tpu.vector_store %arg10[%swap3A_222], %mul3A_221 {strides = array<i32>} : memref<200xi32, #tpu.memory_space<vmem>>, vector<16xi32>,
      %dma_start3A_224 = arith.constant 0 : i32
      %dma_start3A_225 = arith.constant 0 : i32
      %dma_start3A_226 = tpu.memref_slice %arg3[%dma_start3A_224, %dma_start3A_225] : memref<500000x128xf32, #tpu.memory_space<hbm>> -> memref<500000x128xf32, #tpu.memory_space<hbm>>
      tpu.enqueue_indirect_dma source(%dma_start3A_226 : memref<500000x128xf32, #tpu.memory_space<hbm>>) target(%arg12 : memref<200x128xf32, #tpu.memory_space<vmem>>) offsets(%arg8 : memref<200xi32, #tpu.memory_space<vmem>>) semaphore(%arg16 : memref<!tpu.dma_semaphore, #tpu.memory_space<semaphore_mem>>)
    }
    %scan3A_56 = arith.constant 255 : i32
    %dma_wait3A = arith.constant 0 : i32
    %dma_wait3A_57 = arith.constant 0 : i32
    %dma_wait3A_58 = tpu.memref_slice %arg3[%dma_wait3A, %dma_wait3A_57] : memref<500000x128xf32, #tpu.memory_space<hbm>> -> memref<500000x128xf32, #tpu.memory_space<hbm>>
    tpu.wait_indirect_dma semaphore(%arg15 : memref<!tpu.dma_semaphore, #tpu.memory_space<semaphore_mem>>) src(%dma_wait3A_58 : memref<500000x128xf32, #tpu.memory_space<hbm>>) dst(%arg11 : memref<200x128xf32, #tpu.memory_space<vmem>>)
    %broadcast_in_dim3A = arith.constant 0 : i32
    %broadcast_in_dim3A_59 = vector.broadcast %broadcast_in_dim3A : i32 to vector<16xi32>
    %scan3A_60 = arith.constant 0 : i32
    %scan3A_61 = arith.constant 0 : i32
    %scan3A_62 = arith.constant 13 : i32
    %scan3A_63 = arith.addi %scan3A_61, %scan3A_62 : i32
    %scan3A_64 = arith.constant 1 : i32
    scf.for %scan3A_109 = %scan3A_61 to %scan3A_63 step %scan3A_64  : i32 {
      %mul3A_110 = arith.constant 16 : i32
      %mul3A_111 = arith.muli %scan3A_109, %mul3A_110 : i32
      %iota3A = tpu.iota {dimensions = array<i32: 0>} : vector<16xi32>
      %add3A_112 = vector.broadcast %mul3A_111 : i32 to vector<16xi32>
      %add3A_113 = arith.addi %add3A_112, %iota3A : vector<16xi32>
      %lt3A = arith.constant 200 : i32
      %lt3A_114 = vector.broadcast %lt3A : i32 to vector<16xi32>
      %lt3A_115 = arith.cmpi slt, %add3A_113, %lt3A_114 : vector<16xi32>
      %jit3A = arith.constant 0 : i32
      %broadcast_in_dim3A_116 = vector.broadcast %jit3A : i32 to vector<16xi32>
      %select_n3A = arith.select %lt3A_115, %add3A_113, %broadcast_in_dim3A_116 : vector<16xi1>, vector<16xi32>
      %gather3A = tpu.vector_load_idx %arg9[%select_n3A] : memref<200xi32, #tpu.memory_space<vmem>>[vector<16xi32>], vector<16xi32>,
      %iota3A_117 = tpu.iota {dimensions = array<i32: 0>} : vector<16xi32>
      %add3A_118 = arith.constant 0 : i32
      %add3A_119 = vector.broadcast %add3A_118 : i32 to vector<16xi32>
      %add3A_120 = arith.addi %add3A_119, %iota3A_117 : vector<16xi32>
      %add3A_121 = arith.constant 0 : i32
      %add3A_122 = vector.broadcast %add3A_121 : i32 to vector<16xi32>
      %add3A_123 = arith.addi %gather3A, %add3A_122 : vector<16xi32>
      %gather3A_124 = tpu.vector_load_idx %arg11[%select_n3A, %add3A_123] masked %lt3A_115 : memref<200x128xf32, #tpu.memory_space<vmem>>[vector<16xi32>, vector<16xi32>], vector<16xf32>, vector<16xi1>
      tpu.vector_store_idx %arg13[%broadcast_in_dim3A_59, %select_n3A, %add3A_120], %gather3A_124 masked %lt3A_115 : memref<1x200x64xf32, #tpu.memory_space<vmem>>[vector<16xi32>, vector<16xi32>, vector<16xi32>], vector<16xf32>, vector<16xi1>
      %iota3A_125 = tpu.iota {dimensions = array<i32: 0>} : vector<16xi32>
      %add3A_126 = arith.constant 16 : i32
      %add3A_127 = vector.broadcast %add3A_126 : i32 to vector<16xi32>
      %add3A_128 = arith.addi %add3A_127, %iota3A_125 : vector<16xi32>
      %add3A_129 = arith.constant 16 : i32
      %add3A_130 = vector.broadcast %add3A_129 : i32 to vector<16xi32>
      %add3A_131 = arith.addi %gather3A, %add3A_130 : vector<16xi32>
      %gather3A_132 = tpu.vector_load_idx %arg11[%select_n3A, %add3A_131] masked %lt3A_115 : memref<200x128xf32, #tpu.memory_space<vmem>>[vector<16xi32>, vector<16xi32>], vector<16xf32>, vector<16xi1>
      tpu.vector_store_idx %arg13[%broadcast_in_dim3A_59, %select_n3A, %add3A_128], %gather3A_132 masked %lt3A_115 : memref<1x200x64xf32, #tpu.memory_space<vmem>>[vector<16xi32>, vector<16xi32>, vector<16xi32>], vector<16xf32>, vector<16xi1>
      %iota3A_133 = tpu.iota {dimensions = array<i32: 0>} : vector<16xi32>
      %add3A_134 = arith.constant 32 : i32
      %add3A_135 = vector.broadcast %add3A_134 : i32 to vector<16xi32>
      %add3A_136 = arith.addi %add3A_135, %iota3A_133 : vector<16xi32>
      %add3A_137 = arith.constant 32 : i32
      %add3A_138 = vector.broadcast %add3A_137 : i32 to vector<16xi32>
      %add3A_139 = arith.addi %gather3A, %add3A_138 : vector<16xi32>
      %gather3A_140 = tpu.vector_load_idx %arg11[%select_n3A, %add3A_139] masked %lt3A_115 : memref<200x128xf32, #tpu.memory_space<vmem>>[vector<16xi32>, vector<16xi32>], vector<16xf32>, vector<16xi1>
      tpu.vector_store_idx %arg13[%broadcast_in_dim3A_59, %select_n3A, %add3A_136], %gather3A_140 masked %lt3A_115 : memref<1x200x64xf32, #tpu.memory_space<vmem>>[vector<16xi32>, vector<16xi32>, vector<16xi32>], vector<16xf32>, vector<16xi1>
      %iota3A_141 = tpu.iota {dimensions = array<i32: 0>} : vector<16xi32>
      %add3A_142 = arith.constant 48 : i32
      %add3A_143 = vector.broadcast %add3A_142 : i32 to vector<16xi32>
      %add3A_144 = arith.addi %add3A_143, %iota3A_141 : vector<16xi32>
      %add3A_145 = arith.constant 48 : i32
      %add3A_146 = vector.broadcast %add3A_145 : i32 to vector<16xi32>
      %add3A_147 = arith.addi %gather3A, %add3A_146 : vector<16xi32>
      %gather3A_148 = tpu.vector_load_idx %arg11[%select_n3A, %add3A_147] masked %lt3A_115 : memref<200x128xf32, #tpu.memory_space<vmem>>[vector<16xi32>, vector<16xi32>], vector<16xf32>, vector<16xi1>
      tpu.vector_store_idx %arg13[%broadcast_in_dim3A_59, %select_n3A, %add3A_144], %gather3A_148 masked %lt3A_115 : memref<1x200x64xf32, #tpu.memory_space<vmem>>[vector<16xi32>, vector<16xi32>, vector<16xi32>], vector<16xf32>, vector<16xi1>
    }
    %scan3A_65 = arith.constant 13 : i32
    %add3A_66 = arith.constant 510 : i32
    %add3A_67 = arith.addi %mul3A_2, %add3A_66 : i32
    %dma_start3A_68 = arith.constant 0 : i32
    %dma_start3A_69 = arith.constant 0 : i32
    %dma_start3A_70 = tpu.memref_slice %arg4[%add3A_67, %dma_start3A_68, %dma_start3A_69] : memref<16384x200x64xf32, #tpu.memory_space<hbm>> -> memref<1x200x64xf32, #tpu.memory_space<hbm>>
    %dma_start3A_71 = arith.constant 0 : i32
    %dma_start3A_72 = arith.constant 0 : i32
    %dma_start3A_73 = tpu.memref_slice %arg4[%add3A_67, %dma_start3A_71, %dma_start3A_72] : memref<16384x200x64xf32, #tpu.memory_space<hbm>> -> memref<1x200x64xf32, #tpu.memory_space<hbm>>
    tpu.enqueue_dma source(%arg13 : memref<1x200x64xf32, #tpu.memory_space<vmem>>) target(%dma_start3A_73 : memref<1x200x64xf32, #tpu.memory_space<hbm>>) target_semaphore(%arg17 : memref<!tpu.dma_semaphore, #tpu.memory_space<semaphore_mem>>)
    %dma_wait3A_74 = arith.constant 0 : i32
    %dma_wait3A_75 = arith.constant 0 : i32
    %dma_wait3A_76 = tpu.memref_slice %arg3[%dma_wait3A_74, %dma_wait3A_75] : memref<500000x128xf32, #tpu.memory_space<hbm>> -> memref<500000x128xf32, #tpu.memory_space<hbm>>
    tpu.wait_indirect_dma semaphore(%arg16 : memref<!tpu.dma_semaphore, #tpu.memory_space<semaphore_mem>>) src(%dma_wait3A_76 : memref<500000x128xf32, #tpu.memory_space<hbm>>) dst(%arg12 : memref<200x128xf32, #tpu.memory_space<vmem>>)
    %broadcast_in_dim3A_77 = arith.constant 0 : i32
    %broadcast_in_dim3A_78 = vector.broadcast %broadcast_in_dim3A_77 : i32 to vector<16xi32>
    %scan3A_79 = arith.constant 0 : i32
    %scan3A_80 = arith.constant 0 : i32
    %scan3A_81 = arith.constant 13 : i32
    %scan3A_82 = arith.addi %scan3A_80, %scan3A_81 : i32
    %scan3A_83 = arith.constant 1 : i32
    scf.for %scan3A_109 = %scan3A_80 to %scan3A_82 step %scan3A_83  : i32 {
      %mul3A_110 = arith.constant 16 : i32
      %mul3A_111 = arith.muli %scan3A_109, %mul3A_110 : i32
      %iota3A = tpu.iota {dimensions = array<i32: 0>} : vector<16xi32>
      %add3A_112 = vector.broadcast %mul3A_111 : i32 to vector<16xi32>
      %add3A_113 = arith.addi %add3A_112, %iota3A : vector<16xi32>
      %lt3A = arith.constant 200 : i32
      %lt3A_114 = vector.broadcast %lt3A : i32 to vector<16xi32>
      %lt3A_115 = arith.cmpi slt, %add3A_113, %lt3A_114 : vector<16xi32>
      %jit3A = arith.constant 0 : i32
      %broadcast_in_dim3A_116 = vector.broadcast %jit3A : i32 to vector<16xi32>
      %select_n3A = arith.select %lt3A_115, %add3A_113, %broadcast_in_dim3A_116 : vector<16xi1>, vector<16xi32>
      %gather3A = tpu.vector_load_idx %arg10[%select_n3A] : memref<200xi32, #tpu.memory_space<vmem>>[vector<16xi32>], vector<16xi32>,
      %iota3A_117 = tpu.iota {dimensions = array<i32: 0>} : vector<16xi32>
      %add3A_118 = arith.constant 0 : i32
      %add3A_119 = vector.broadcast %add3A_118 : i32 to vector<16xi32>
      %add3A_120 = arith.addi %add3A_119, %iota3A_117 : vector<16xi32>
      %add3A_121 = arith.constant 0 : i32
      %add3A_122 = vector.broadcast %add3A_121 : i32 to vector<16xi32>
      %add3A_123 = arith.addi %gather3A, %add3A_122 : vector<16xi32>
      %gather3A_124 = tpu.vector_load_idx %arg12[%select_n3A, %add3A_123] masked %lt3A_115 : memref<200x128xf32, #tpu.memory_space<vmem>>[vector<16xi32>, vector<16xi32>], vector<16xf32>, vector<16xi1>
      tpu.vector_store_idx %arg14[%broadcast_in_dim3A_78, %select_n3A, %add3A_120], %gather3A_124 masked %lt3A_115 : memref<1x200x64xf32, #tpu.memory_space<vmem>>[vector<16xi32>, vector<16xi32>, vector<16xi32>], vector<16xf32>, vector<16xi1>
      %iota3A_125 = tpu.iota {dimensions = array<i32: 0>} : vector<16xi32>
      %add3A_126 = arith.constant 16 : i32
      %add3A_127 = vector.broadcast %add3A_126 : i32 to vector<16xi32>
      %add3A_128 = arith.addi %add3A_127, %iota3A_125 : vector<16xi32>
      %add3A_129 = arith.constant 16 : i32
      %add3A_130 = vector.broadcast %add3A_129 : i32 to vector<16xi32>
      %add3A_131 = arith.addi %gather3A, %add3A_130 : vector<16xi32>
      %gather3A_132 = tpu.vector_load_idx %arg12[%select_n3A, %add3A_131] masked %lt3A_115 : memref<200x128xf32, #tpu.memory_space<vmem>>[vector<16xi32>, vector<16xi32>], vector<16xf32>, vector<16xi1>
      tpu.vector_store_idx %arg14[%broadcast_in_dim3A_78, %select_n3A, %add3A_128], %gather3A_132 masked %lt3A_115 : memref<1x200x64xf32, #tpu.memory_space<vmem>>[vector<16xi32>, vector<16xi32>, vector<16xi32>], vector<16xf32>, vector<16xi1>
      %iota3A_133 = tpu.iota {dimensions = array<i32: 0>} : vector<16xi32>
      %add3A_134 = arith.constant 32 : i32
      %add3A_135 = vector.broadcast %add3A_134 : i32 to vector<16xi32>
      %add3A_136 = arith.addi %add3A_135, %iota3A_133 : vector<16xi32>
      %add3A_137 = arith.constant 32 : i32
      %add3A_138 = vector.broadcast %add3A_137 : i32 to vector<16xi32>
      %add3A_139 = arith.addi %gather3A, %add3A_138 : vector<16xi32>
      %gather3A_140 = tpu.vector_load_idx %arg12[%select_n3A, %add3A_139] masked %lt3A_115 : memref<200x128xf32, #tpu.memory_space<vmem>>[vector<16xi32>, vector<16xi32>], vector<16xf32>, vector<16xi1>
      tpu.vector_store_idx %arg14[%broadcast_in_dim3A_78, %select_n3A, %add3A_136], %gather3A_140 masked %lt3A_115 : memref<1x200x64xf32, #tpu.memory_space<vmem>>[vector<16xi32>, vector<16xi32>, vector<16xi32>], vector<16xf32>, vector<16xi1>
      %iota3A_141 = tpu.iota {dimensions = array<i32: 0>} : vector<16xi32>
      %add3A_142 = arith.constant 48 : i32
      %add3A_143 = vector.broadcast %add3A_142 : i32 to vector<16xi32>
      %add3A_144 = arith.addi %add3A_143, %iota3A_141 : vector<16xi32>
      %add3A_145 = arith.constant 48 : i32
      %add3A_146 = vector.broadcast %add3A_145 : i32 to vector<16xi32>
      %add3A_147 = arith.addi %gather3A, %add3A_146 : vector<16xi32>
      %gather3A_148 = tpu.vector_load_idx %arg12[%select_n3A, %add3A_147] masked %lt3A_115 : memref<200x128xf32, #tpu.memory_space<vmem>>[vector<16xi32>, vector<16xi32>], vector<16xf32>, vector<16xi1>
      tpu.vector_store_idx %arg14[%broadcast_in_dim3A_78, %select_n3A, %add3A_144], %gather3A_148 masked %lt3A_115 : memref<1x200x64xf32, #tpu.memory_space<vmem>>[vector<16xi32>, vector<16xi32>, vector<16xi32>], vector<16xf32>, vector<16xi1>
    }
    %scan3A_84 = arith.constant 13 : i32
    %add3A_85 = arith.constant 511 : i32
    %add3A_86 = arith.addi %mul3A_2, %add3A_85 : i32
    %dma_start3A_87 = arith.constant 0 : i32
    %dma_start3A_88 = arith.constant 0 : i32
    %dma_start3A_89 = tpu.memref_slice %arg4[%add3A_86, %dma_start3A_87, %dma_start3A_88] : memref<16384x200x64xf32, #tpu.memory_space<hbm>> -> memref<1x200x64xf32, #tpu.memory_space<hbm>>
    %dma_start3A_90 = arith.constant 0 : i32
    %dma_start3A_91 = arith.constant 0 : i32
    %dma_start3A_92 = tpu.memref_slice %arg4[%add3A_86, %dma_start3A_90, %dma_start3A_91] : memref<16384x200x64xf32, #tpu.memory_space<hbm>> -> memref<1x200x64xf32, #tpu.memory_space<hbm>>
    tpu.enqueue_dma source(%arg14 : memref<1x200x64xf32, #tpu.memory_space<vmem>>) target(%dma_start3A_92 : memref<1x200x64xf32, #tpu.memory_space<hbm>>) target_semaphore(%arg18 : memref<!tpu.dma_semaphore, #tpu.memory_space<semaphore_mem>>)
    %dma_wait3A_93 = arith.constant 0 : i32
    %dma_wait3A_94 = arith.constant 0 : i32
    %dma_wait3A_95 = arith.constant 0 : i32
    %dma_wait3A_96 = tpu.memref_slice %arg4[%dma_wait3A_93, %dma_wait3A_94, %dma_wait3A_95] : memref<16384x200x64xf32, #tpu.memory_space<hbm>> -> memref<1x200x64xf32, #tpu.memory_space<hbm>>
    %dma_wait3A_97 = arith.constant 0 : i32
    %dma_wait3A_98 = arith.constant 0 : i32
    %dma_wait3A_99 = arith.constant 0 : i32
    %dma_wait3A_100 = tpu.memref_slice %arg4[%dma_wait3A_97, %dma_wait3A_98, %dma_wait3A_99] : memref<16384x200x64xf32, #tpu.memory_space<hbm>> -> memref<1x200x64xf32, #tpu.memory_space<hbm>>
    tpu.wait_dma2 semaphore(%arg17 : memref<!tpu.dma_semaphore, #tpu.memory_space<semaphore_mem>>) src(%arg13 : memref<1x200x64xf32, #tpu.memory_space<vmem>>) dst(%dma_wait3A_100 : memref<1x200x64xf32, #tpu.memory_space<hbm>>)
    %dma_wait3A_101 = arith.constant 0 : i32
    %dma_wait3A_102 = arith.constant 0 : i32
    %dma_wait3A_103 = arith.constant 0 : i32
    %dma_wait3A_104 = tpu.memref_slice %arg4[%dma_wait3A_101, %dma_wait3A_102, %dma_wait3A_103] : memref<16384x200x64xf32, #tpu.memory_space<hbm>> -> memref<1x200x64xf32, #tpu.memory_space<hbm>>
    %dma_wait3A_105 = arith.constant 0 : i32
    %dma_wait3A_106 = arith.constant 0 : i32
    %dma_wait3A_107 = arith.constant 0 : i32
    %dma_wait3A_108 = tpu.memref_slice %arg4[%dma_wait3A_105, %dma_wait3A_106, %dma_wait3A_107] : memref<16384x200x64xf32, #tpu.memory_space<hbm>> -> memref<1x200x64xf32, #tpu.memory_space<hbm>>
    tpu.wait_dma2 semaphore(%arg18 : memref<!tpu.dma_semaphore, #tpu.memory_space<semaphore_mem>>) src(%arg14 : memref<1x200x64xf32, #tpu.memory_space<vmem>>) dst(%dma_wait3A_108 : memref<1x200x64xf32, #tpu.memory_space<hbm>>)
    return
  }
}

</mosaic_0001>

<sc_bundles>
// kernel: kernel.3.cloned.1.call-start
scs
__scs_entry_jumppad:
0x0: {  	(pc) =	sbr.rel $0x88, $3  }
0x1: {  	(tag) =	ssettag $0x0;
	lr =	simm.s32 $0x1  }
0x2: {  	[smem:$0x3F9F] =	sst lr;
	_ =	strace $0xD0000000  }
0x3: {  	_ = 	snop  }
0x4: {  	_ = 	snop  }
0x5: {  	_ = 	snop  }
0x6: {  	_ = 	snop  }
0x7: {  	_ = 	snop  }
__scs_overlays_trampoline_lowered:
0x8: {  	[smem:$0x3FAE] =	sst s0  }
0x9: {  	[smem:$0x3FAF] =	sst s1  }
0xa: {  	[smem:$0x3FB0] =	sst s2  }
0xb: {  	[smem:$0x3FB1] =	sst s3  }
0xc: {  	[smem:$0x3FB2] =	sst s4  }
0xd: {  	[smem:$0x3FB3] =	sst s5  }
0xe: {  	[smem:$0x3FB4] =	sst s6  }
0xf: {  	[smem:$0x3FB5] =	sst s7  }
0x10: {  	[smem:$0x3FB6] =	sst s8  }
0x11: {  	[smem:$0x3FB7] =	sst s9;
	s0 =	simm.s32 @!p0 $0x0  }
0x12: {  	s1 =	sld [smem:$0x3F9D];
	s0 =	simm.s32 @p0 $0x1  }
0x13: {  	[smem:$0x3FB8] =	sst s0;
	s0 =	simm.s32 @!p1 $0x0  }
0x14: {  	s2 =	sld [smem:$0x3F9C];
	s0 =	simm.s32 @p1 $0x1  }
0x15: {  	[smem:$0x3FB9] =	sst s0;
	s0 =	simm.s32 @!p2 $0x0  }
0x16: {  	s3 =	sld [smem:$0x3FDB];
	s0 =	simm.s32 @p2 $0x1  }
0x17: {  	s4 =	simm.s32 $0x1BF5;
	[smem:$0x3FBB] =	sst s0  }
0x18: {  	s0 =	sld [smem:$0x3F9E];
	_ =	swait.ge [sflag:s4], $0x0  }
0x19: {  	s7 =	sld [smem:$0x3F9F]  }
0x1a: {  	s8 =	sadd.s32 $0xFFFFE003, lr  }
0x1b: {  	s9 =	sadd.s32 $0xFFFFFEF7, lr;
	s5 =	simm.s32 $0xFFFFFFFF;
	p2 =	slt.u32 s8, $0xFFFFF086  }
0x1c: {  	p1 =	slt.u32 s9, $0xF7A;
	s5 =	simm.s32 @!p2 $0x0  }
0x1d: {  	s5 =	simm.s32 @p1 $0x1;
	p0 =	seq.s32 s7, s2  }
0x1e: {  	s7 =	smul.u32 @!p0 $0xF7A, s2;
	p2 =	seq.s32 @!p0 s5, $0x0  }
0x1f: {  	s9 =	smul.u32 $0xF7A, s1;
	s8 =	simm.s32 @!p0 $0x1BF5;
	p2 =	por !p2, p0  }
0x20: {  	[sflag:s8] =	ssyncset.s32 @!p0 $0xFFFFF086;
	s6 =	sadd.s32 @!p0 s3, s7;
	s7 =	simm.s32 @!p0 $0x108  }
0x21: {  	s3 =	sadd.s32 s3, s9;
	s6 =	sadd.s32 @!p0 $0x88, s6;
	s7 =	simm.s32 @p2 $0x1082  }
0x22: {  	[simem:s7], [sflag:s8] =	dma.local @!p0 [hbm:s6], $0xF7A  }
0x23: {  	s9 =	sor.u32 $0xD0000000, s2;
	s6 =	simm.s32 $0x108;
	_ =	swait.ge @!p0 [sflag:s8], $0x0  }
0x24: {  	s3 =	sadd.s32 $0x88, s3;
	s6 =	simm.s32 @!p1 $0x1082;
	[sflag:s4] =	ssyncset.s32 $0xFFFFF086  }
0x25: {  	[simem:s6], [sflag:s4] =	dma.local [hbm:s3], $0xF7A  }
0x26: {  	[smem:$0x3F9F] =	sst s1;
	(tag) =	ssettag s2;
	_ =	strace s9  }
0x27: {  	s1 =	sld [smem:$0x3FAF]  }
0x28: {  	s2 =	sld [smem:$0x3FB0]  }
0x29: {  	s4 =	sld [smem:$0x3FB2]  }
0x2a: {  	p0 =	seq.s32 s5, $0x0;
	s5 =	sld [smem:$0x3FB3]  }
0x2b: {  	s6 =	sld [smem:$0x3FB4]  }
0x2c: {  	s7 =	sld [smem:$0x3FB5]  }
0x2d: {  	s3 =	simm.s32 $0x108;
	s8 =	sld [smem:$0x3FB6]  }
0x2e: {  	s3 =	simm.s32 @!p0 $0x1082;
	s9 =	sld [smem:$0x3FB7]  }
0x2f: {  	lr =	sadd.s32 s0, s3;
	s0 =	sld [smem:$0x3FAE]  }
0x30: {  	s3 =	sld [smem:$0x3FB1]  }
0x31: {  	[smem:$0x3FBA] =	sst s10  }
0x32: {  	s10 =	sld [smem:$0x3FB8];
	_ =	sdelay $0x3  }
0x33: {  	p0 =	seq.s32 s10, $0x1;
	s10 =	sld [smem:$0x3FBA];
	_ =	sdelay $0x3  }
0x34: {  	[smem:$0x3FBA] =	sst s10  }
0x35: {  	s10 =	sld [smem:$0x3FB9];
	_ =	sdelay $0x3  }
0x36: {  	p1 =	seq.s32 s10, $0x1;
	s10 =	sld [smem:$0x3FBA];
	_ =	sdelay $0x3  }
0x37: {  	[smem:$0x3FBA] =	sst s10  }
0x38: {  	s10 =	sld [smem:$0x3FBB]  }
0x39: {  	_ = 	snop;
	(pc) =	sbr.ind lr, $3  }
0x3a: {  	_ = 	snop  }
0x3b: {  	_ = 	snop  }
0x3c: {  	p2 =	seq.s32 s10, $0x1;
	s10 =	sld [smem:$0x3FBA]  }
0x3d: {  	_ =	shalt  }
0x3e: {  	_ =	shalt  }
0x3f: {  	_ =	shalt  }
0x40: {  	_ =	shalt  }
0x41: {  	_ =	shalt  }
0x42: {  	_ =	shalt  }
0x43: {  	_ =	shalt  }
0x44: {  	_ =	shalt  }
0x45: {  	_ =	shalt  }
0x46: {  	_ =	shalt  }
0x47: {  	_ =	shalt  }
0x48: {  	_ =	shalt  }
0x49: {  	_ =	shalt  }
0x4a: {  	_ =	shalt  }
0x4b: {  	_ =	shalt  }
0x4c: {  	_ =	shalt  }
0x4d: {  	_ =	shalt  }
0x4e: {  	_ =	shalt  }
0x4f: {  	_ =	shalt  }
0x50: {  	_ =	shalt  }
0x51: {  	_ =	shalt  }
0x52: {  	_ =	shalt  }
0x53: {  	_ =	shalt  }
0x54: {  	_ =	shalt  }
0x55: {  	_ =	shalt  }
0x56: {  	_ =	shalt  }
0x57: {  	_ =	shalt  }
0x58: {  	_ =	shalt  }
0x59: {  	_ =	shalt  }
0x5a: {  	_ =	shalt  }
0x5b: {  	_ =	shalt  }
0x5c: {  	_ =	shalt  }
0x5d: {  	_ =	shalt  }
0x5e: {  	_ =	shalt  }
0x5f: {  	_ =	shalt  }
0x60: {  	_ =	shalt  }
0x61: {  	_ =	shalt  }
0x62: {  	_ =	shalt  }
0x63: {  	_ =	shalt  }
0x64: {  	_ =	shalt  }
0x65: {  	_ =	shalt  }
0x66: {  	_ =	shalt  }
0x67: {  	_ =	shalt  }
0x68: {  	_ =	shalt  }
0x69: {  	_ =	shalt  }
0x6a: {  	_ =	shalt  }
0x6b: {  	_ =	shalt  }
0x6c: {  	_ =	shalt  }
0x6d: {  	_ =	shalt  }
0x6e: {  	_ =	shalt  }
0x6f: {  	_ =	shalt  }
0x70: {  	_ =	shalt  }
0x71: {  	_ =	shalt  }
0x72: {  	_ =	shalt  }
0x73: {  	_ =	shalt  }
0x74: {  	_ =	shalt  }
0x75: {  	_ =	shalt  }
0x76: {  	_ =	shalt  }
0x77: {  	_ =	shalt  }
0x78: {  	_ =	shalt  }
0x79: {  	_ =	shalt  }
0x7a: {  	_ =	shalt  }
0x7b: {  	_ =	shalt  }
0x7c: {  	_ =	shalt  }
0x7d: {  	_ =	shalt  }
0x7e: {  	_ =	shalt  }
0x7f: {  	_ =	shalt  }
0x80: {  	_ =	shalt  }
0x81: {  	_ =	shalt  }
0x82: {  	_ =	shalt  }
0x83: {  	_ =	shalt  }
0x84: {  	_ =	shalt  }
0x85: {  	_ =	shalt  }
0x86: {  	_ =	shalt  }
0x87: {  	_ =	shalt  }
.Lfunc_end0:
.L_simem_size_0:
called_computation.1_lowered:
.L_overlay_start_0:
0x88: {  	s2 =	sld [smem:$0x3FD9]  }
0x89: {  	s3 =	sld [smem:$0x3FFE];
	_ =	sdelay $0x1  }
0x8a: {  	s1 =	srdreg.scid  }
0x8b: {  	s0 =	sand.u32 $0x1, s1  }
0x8c: {  	s16 =	sshll.u32 s0, $0xA;
	s2 =	sadd.s32 s3, s2  }
0x8d: {  	s2 =	sadd.s32 s2, s16  }
0x8e: {  	[smem:$0x3FC6] =	sst s2  }
0x8f: {  	_ = 	snop  }
0x90: {  	(tm) =	ssettm $0x1  }
0x91: {  	s17 =	sld [smem:$0x3FFB];
	_ =	sdelay $0x3  }
0x92: {  	_ =	strace s17  }
0x93: {  	s2 =	sld [smem:$0x3FFC];
	_ =	sdelay $0x3  }
0x94: {  	_ =	strace s2  }
0x95: {  	s2 =	sld [smem:$0x3FFD];
	_ =	sdelay $0x3  }
0x96: {  	_ =	strace s2  }
0x97: {  	_ =	strace $0x8FFFFFFF  }
0x98: {  	s18 =	sld [smem:$0x3FDB];
	_ =	sdelay $0x1  }
0x99: {  	s19 =	simm.s32 $_scs_section_size  }
0x9a: {  	s4 =	simm.s32 $_size__tile_overlayer_lowered;
	s5 =	simm.s32 $_tile_overlayer_lowered  }
0x9b: {  	s22 =	simm.s32 $0x1BFF;
	s21 =	sshll.u32 s5, $0x1;
	s2 =	sadd.s32 s19, s18  }
0x9c: {  	s6 =	simm.s32 $0x0;
	s20 =	sshll.u32 s4, $0x1;
	s4 =	sadd.s32 s21, s2  }
0x9d: {  	[timem:s6], [sflag:s22] =	dma.local [hbm:s4], s20  }
0x9e: {  	_ =	swait.ge [sflag:s22], s20  }
0x9f: {  	s3 =	ssub.s32 $0x0, s20;
	[sflag:s22] =	ssyncset.done $0x0  }
0xa0: {  	[sflag:s22] =	ssyncadd.s32 s3;
	_ =	sdelay $0x1  }
0xa1: {  	s23 =	simm.s32 $0x1B8B  }
0xa2: {  	_ =	swait.ge [sflag:s23], $0x1  }
0xa3: {  	[sflag:s23] =	ssyncset.done $0x0  }
0xa4: {  	s25 =	simm.s32 $0x1B8E;
	s24 =	sld [smem:$0x3FFE];
	[sflag:s23] =	ssyncadd.s32 $0xFFFFFFFF  }
0xa5: {  	s26 =	simm.s32 $execute0_lowered;
	[smem:$0x3FD2] =	sst s25  }
0xa6: {  	s4 =	sshll.u32 s26, $0x1;
	_ =	strace $0x80000049;
	[dreg:$0x1] =	wrdreg $0xFFFFFFFF  }
0xa7: {  	s28 =	simm.s32 $_size_execute0_lowered;
	s2 =	sadd.s32 s2, s4;
	[dreg:$0x0] =	wrdreg $0x0  }
0xa8: {  	s4 =	sshll.u32 s28, $0x1;
	[dreg:$0x2] =	wrdreg s2  }
0xa9: {  	[dreg:$0x3] =	wrdreg s4  }
0xaa: {  	[dreg:$0x4] =	wrdreg $0xC0  }
0xab: {  	_ =	task [dreg:s6], $0x5FFFF  }
0xac: {  	[dreg:$0x1] =	wrdreg $0xFFFFFFFF  }
0xad: {  	[dreg:$0x0] =	wrdreg $0x60  }
0xae: {  	[dreg:$0x2] =	wrdreg s24  }
0xaf: {  	[dreg:$0x3] =	wrdreg $0x9  }
0xb0: {  	_ =	task.clear_ibuf [dreg:s6], $0x4FFFF;
	_ =	strace $0x90000049  }
0xb1: {  	s29 =	simm.s32 $0x9;
	_ =	strace $0x8000004B  }
0xb2: {  	_ =	swait.ge [sflag:s29], $0x1  }
0xb3: {  	[sflag:s29] =	ssyncadd.s32 $0xFFFFFFFF  }
0xb4: {  	_ =	strace $0x9000004B  }
0xb5: {  	_ =	sfence  }
0xb6: {  	s30 =	sld [smem:$0x0];
	_ =	sdelay $0x2  }
0xb7: {  	s31 =	sshll.u32 s1, $0xD;
	s1 =	sshrl.u32 s1, $0x2  }
0xb8: {  	s3 =	sand.u32 $0x4000, s31;
	s1 =	sadd.s32 s1, s30  }
0xb9: {  	s0 =	sor.u32 s3, s0;
	s1 =	sshll.u32 s1, $0x11  }
0xba: {  	s0 =	sor.u32 s1, s0  }
0xbb: {  	s0 =	sadd.s32 $0x8F2B, s0  }
0xbc: {  	[sflag:s0] =	ssyncadd.remote.s32 $0x1  }
0xbd: {  	_ =	sfence.sel $0xFFFF  }
0xbe: {  	[dreg:$0x0] =	wrdreg $0xFFFFFFFF;
	(pc) =	sbr.abs _section_cstart, $3  }
0xbf: {  	[dreg:$0x1] =	wrdreg $0xFFFFFFFF  }
0xc0: {  	_ =	task.clear_ibuf [dreg:s6], $0x2FFFF;
	_ =	strace $0x9FFFFFFF  }
0xc1: {  	(tm) =	ssettm $0x7FFFFFFF  }
tec
execute0_lowered:
.L_overlay_start_1:
0x0: {  	(tag) =	ssettag $0x1  }
0x1: {  	s0 =	rddreg [dreg:$0x0];
	s2 =	simm.s32 $0x0;
	s1 =	srdreg.scid  }
0x2: {  	s3 =	stileid.u32;
	s15 =	simm.s32 $0x5;
	s16 =	simm.s32 $0xC8  }
0x3: {  	s17 =	simm.s32 $0x200;
	s18 =	simm.s32 $0x600;
	s19 =	simm.s32 $0x100  }
0x4: {  	s20 =	simm.s32 $0x300;
	s28 =	simm.s32 $0x500;
	s29 =	simm.s32 $0x13200  }
0x5: {  	s30 =	simm.s32 $0x4;
	s31 =	simm.s32 $0x0;
	[smem:$0x7FF] =	sst s2  }
0x6: {  	s1 =	sand.u32 $0x1, s1;
	s3 =	sshll.u32 s3, $0x1;
	s5 =	sadd.s32 $0x64A00, s0  }
0x7: {  	s6 =	sadd.s32 $0x805C00, s0;
	_ =	strace $0x8000004A;
	s7 =	sor.u32 s1, s3  }
0x8: {  	s3 =	sadd.s32 $0xA00, s0;
	s1 =	ssub.s32 $0x2, s1;
	s4 =	smul.u32 $0x19000, s7  }
0x9: {  	s8 =	sshrl.u32 s1, $0x1;
	s9 =	smul.u32 $0xC80000, s7;
	s23 =	sshll.u32 s7, $0x9  }
0xa: {  	s21 =	ssub.s32 s1, s8;
	s10 =	sadd.s32 $0xFFFFFFFF, s23;
	s22 =	sshrl.u32 s4, $0x3  }
0xb: {  	s24 =	sshrl.u32 s9, $0x3;
	s9 =	sadd.s32 $0xFFFFFFFE, s23;
	s11 =	sor.u32 $0xC8, s4  }
0xc: {  	s14 =	smax.u32 s21, $0x1;
	s21 =	simm.s32 $0x6A00;
	s7 =	sadd.s32 s3, s22  }
0xd: {  	s23 =	simm.s32 $0x400;
	s1 =	sadd.s32 s6, s24;
	s25 =	sadd.s32 $0x19, s7  }
0xe: {  	s22 =	simm.s32 $0x1;
	s26 =	sadd.s32 $0x18E700, s1;
	[dreg:$0x2] =	wrdreg s25  }
0xf: {  	v0 =	vlaneseq.u32;
	s24 =	simm.s32 $0xCE00;
	s1 =	sadd.s32 $0x18F380, s1;
	[dreg:$0x3] =	wrdreg s26  }
0x10: {  	v1 =	vor.u32 $0x10, v0;
	v2 =	vor.u32 $0x20, v0;
	v3 =	vor.u32 $0x30, v0;
	[dreg:$0x4] =	wrdreg s1;
	s25 =	simm.s32 $0x3;
	s26 =	simm.s32 $0x2  }
.LBB2_1:
0x11: {  	[tilespmem:s2], [sflag:$0x5] =	stream.linear.gather [hbm4b:s7+s2], $0xC8, $0x38;
	[tilespmem:$0x19600] =	vst v63  }
0x12: {  	_ =	swait.ge [sflag:s15], $0xC8  }
0x13: {  	[sflag:s15] =	ssyncset.done $0x0  }
0x14: {  	[sflag:s15] =	ssyncadd.s32 $0xFFFFFF38  }
0x15: {  	v4 =	vld [tilespmem:$0x0];
	_ =	sdelay $0x1  }
0x16: {  	v5 =	vld [tilespmem:$0x10];
	_ =	sdelay $0x1  }
0x17: {  	v6 =	vld [tilespmem:$0x20]  }
0x18: {  	v7 =	vshrl.u32 v4, $0x1;
	v4 =	vshll.u32 v4, $0x6  }
0x19: {  	v48 =	vld [tilespmem:$0x30];
	[tilespmem:$0x200] =	vst v7;
	v4 =	vand.u32 $0x40, v4  }
0x1a: {  	[tilespmem:$0x400] =	vst v4;
	v4 =	vshrl.u32 v5, $0x1;
	v5 =	vshll.u32 v5, $0x6  }
0x1b: {  	[tilespmem:$0x210] =	vst v4;
	v4 =	vand.u32 $0x40, v5;
	v5 =	vld [tilespmem:$0x40]  }
0x1c: {  	[tilespmem:$0x410] =	vst v4;
	v4 =	vshrl.u32 v6, $0x1;
	v6 =	vshll.u32 v6, $0x6  }
0x1d: {  	v49 =	vld [tilespmem:$0x50];
	[tilespmem:$0x220] =	vst v4;
	v4 =	vand.u32 $0x40, v6  }
0x1e: {  	v7 =	vshll.u32 v48, $0x6;
	[tilespmem:$0x420] =	vst v4;
	v4 =	vshrl.u32 v48, $0x1  }
0x1f: {  	v50 =	vld [tilespmem:$0x60];
	[tilespmem:$0x230] =	vst v4;
	v4 =	vand.u32 $0x40, v7  }
0x20: {  	[tilespmem:$0x430] =	vst v4;
	v4 =	vshrl.u32 v5, $0x1;
	v5 =	vshll.u32 v5, $0x6  }
0x21: {  	[tilespmem:$0x240] =	vst v4;
	v4 =	vand.u32 $0x40, v5;
	v5 =	vld [tilespmem:$0x70]  }
0x22: {  	v6 =	vshll.u32 v49, $0x6;
	[tilespmem:$0x440] =	vst v4;
	v4 =	vshrl.u32 v49, $0x1  }
0x23: {  	v51 =	vld [tilespmem:$0x80];
	[tilespmem:$0x250] =	vst v4;
	v4 =	vand.u32 $0x40, v6  }
0x24: {  	v7 =	vshll.u32 v50, $0x6;
	[tilespmem:$0x450] =	vst v4;
	v4 =	vshrl.u32 v50, $0x1  }
0x25: {  	v52 =	vld [tilespmem:$0x90];
	[tilespmem:$0x260] =	vst v4;
	v4 =	vand.u32 $0x40, v7  }
0x26: {  	[tilespmem:$0x460] =	vst v4;
	v4 =	vshrl.u32 v5, $0x1;
	v5 =	vshll.u32 v5, $0x6  }
0x27: {  	[tilespmem:$0x270] =	vst v4;
	v4 =	vand.u32 $0x40, v5;
	v5 =	vld [tilespmem:$0xA0]  }
0x28: {  	v6 =	vshll.u32 v51, $0x6;
	[tilespmem:$0x470] =	vst v4;
	v4 =	vshrl.u32 v51, $0x1  }
0x29: {  	v53 =	vld [tilespmem:$0xB0];
	[tilespmem:$0x280] =	vst v4;
	v4 =	vand.u32 $0x40, v6  }
0x2a: {  	v7 =	vshll.u32 v52, $0x6;
	[tilespmem:$0x480] =	vst v4;
	v4 =	vshrl.u32 v52, $0x1  }
0x2b: {  	v54 =	vld [tilespmem:$0xB8];
	[tilespmem:$0x290] =	vst v4;
	v4 =	vand.u32 $0x40, v7  }
0x2c: {  	[tilespmem:$0x490] =	vst v4;
	v4 =	vshrl.u32 v5, $0x1;
	v5 =	vshll.u32 v5, $0x6  }
0x2d: {  	[tilespmem:$0x2A0] =	vst v4;
	v4 =	vand.u32 $0x40, v5  }
0x2e: {  	v5 =	vshll.u32 v53, $0x6;
	[tilespmem:$0x4A0] =	vst v4;
	v4 =	vshrl.u32 v53, $0x1  }
0x2f: {  	[tilespmem:$0x2B0] =	vst v4;
	v4 =	vand.u32 $0x40, v5  }
0x30: {  	v5 =	vshll.u32 v54, $0x6;
	[tilespmem:$0x4B0] =	vst v4;
	v4 =	vshrl.u32 v54, $0x1  }
0x31: {  	[tilespmem:$0x2B8] =	vst v4;
	v4 =	vand.u32 $0x40, v5  }
0x32: {  	[tilespmem:$0x4B8] =	vst v4  }
0x33: {  	[tilespmem:s18], [sflag:$0x1] =	stream.indirect.gather [hbm4b:s5+s16], $0x80, s17, s16, $0xb8;
	[tilespmem:$0x19600] =	vst v63  }
0x34: {  	s0 =	rddreg [dreg:$0x2]  }
0x35: {  	[tilespmem:s19], [sflag:$0x5] =	stream.linear.gather [hbm4b:s0+s2], $0xC8, $0x38;
	[tilespmem:$0x19600] =	vst v63  }
0x36: {  	_ =	swait.ge [sflag:s15], $0xC8  }
0x37: {  	[sflag:s15] =	ssyncset.done $0x0  }
0x38: {  	[sflag:s15] =	ssyncadd.s32 $0xFFFFFF38  }
0x39: {  	v4 =	vld [tilespmem:$0x100];
	_ =	sdelay $0x1  }
0x3a: {  	v5 =	vld [tilespmem:$0x110];
	_ =	sdelay $0x1  }
0x3b: {  	v55 =	vld [tilespmem:$0x120]  }
0x3c: {  	v56 =	vshrl.u32 v4, $0x1;
	v4 =	vshll.u32 v4, $0x6  }
0x3d: {  	v57 =	vld [tilespmem:$0x130];
	[tilespmem:$0x300] =	vst v56;
	v4 =	vand.u32 $0x40, v4  }
0x3e: {  	[tilespmem:$0x500] =	vst v4;
	v4 =	vshrl.u32 v5, $0x1;
	v5 =	vshll.u32 v5, $0x6  }
0x3f: {  	[tilespmem:$0x310] =	vst v4;
	v4 =	vand.u32 $0x40, v5;
	v5 =	vld [tilespmem:$0x140]  }
0x40: {  	v6 =	vshll.u32 v55, $0x6;
	[tilespmem:$0x510] =	vst v4;
	v4 =	vshrl.u32 v55, $0x1  }
0x41: {  	v58 =	vld [tilespmem:$0x150];
	[tilespmem:$0x320] =	vst v4;
	v4 =	vand.u32 $0x40, v6  }
0x42: {  	v7 =	vshll.u32 v57, $0x6;
	[tilespmem:$0x520] =	vst v4;
	v4 =	vshrl.u32 v57, $0x1  }
0x43: {  	v59 =	vld [tilespmem:$0x160];
	[tilespmem:$0x330] =	vst v4;
	v4 =	vand.u32 $0x40, v7  }
0x44: {  	[tilespmem:$0x530] =	vst v4;
	v4 =	vshrl.u32 v5, $0x1;
	v5 =	vshll.u32 v5, $0x6  }
0x45: {  	[tilespmem:$0x340] =	vst v4;
	v4 =	vand.u32 $0x40, v5;
	v5 =	vld [tilespmem:$0x170]  }
0x46: {  	v6 =	vshll.u32 v58, $0x6;
	[tilespmem:$0x540] =	vst v4;
	v4 =	vshrl.u32 v58, $0x1  }
0x47: {  	v60 =	vld [tilespmem:$0x180];
	[tilespmem:$0x350] =	vst v4;
	v4 =	vand.u32 $0x40, v6  }
0x48: {  	v7 =	vshll.u32 v59, $0x6;
	[tilespmem:$0x550] =	vst v4;
	v4 =	vshrl.u32 v59, $0x1  }
0x49: {  	v61 =	vld [tilespmem:$0x190];
	[tilespmem:$0x360] =	vst v4;
	v4 =	vand.u32 $0x40, v7  }
0x4a: {  	[tilespmem:$0x560] =	vst v4;
	v4 =	vshrl.u32 v5, $0x1;
	v5 =	vshll.u32 v5, $0x6  }
0x4b: {  	[tilespmem:$0x370] =	vst v4;
	v4 =	vand.u32 $0x40, v5;
	v5 =	vld [tilespmem:$0x1A0]  }
0x4c: {  	v6 =	vshll.u32 v60, $0x6;
	[tilespmem:$0x570] =	vst v4;
	v4 =	vshrl.u32 v60, $0x1  }
0x4d: {  	v62 =	vld [tilespmem:$0x1B0];
	[tilespmem:$0x380] =	vst v4;
	v4 =	vand.u32 $0x40, v6  }
0x4e: {  	v7 =	vshll.u32 v61, $0x6;
	[tilespmem:$0x580] =	vst v4;
	v4 =	vshrl.u32 v61, $0x1  }
0x4f: {  	v63 =	vld [tilespmem:$0x1B8];
	[tilespmem:$0x390] =	vst v4;
	v4 =	vand.u32 $0x40, v7  }
0x50: {  	[tilespmem:$0x590] =	vst v4;
	v4 =	vshrl.u32 v5, $0x1;
	v5 =	vshll.u32 v5, $0x6  }
0x51: {  	[tilespmem:$0x3A0] =	vst v4;
	v4 =	vand.u32 $0x40, v5  }
0x52: {  	v5 =	vshll.u32 v62, $0x6;
	[tilespmem:$0x5A0] =	vst v4;
	v4 =	vshrl.u32 v62, $0x1  }
0x53: {  	[tilespmem:$0x3B0] =	vst v4;
	v4 =	vand.u32 $0x40, v5  }
0x54: {  	v5 =	vshll.u32 v63, $0x6;
	[tilespmem:$0x5B0] =	vst v4;
	v4 =	vshrl.u32 v63, $0x1  }
0x55: {  	[tilespmem:$0x3B8] =	vst v4;
	v4 =	vand.u32 $0x40, v5  }
0x56: {  	s0 =	simm.s32 $0x1;
	[tilespmem:$0x5B8] =	vst v4  }
0x57: {  	[tilespmem:s21], [sflag:$0x2] =	stream.indirect.gather [hbm4b:s5+s16], $0x80, s20, s16, $0xb8;
	[tilespmem:$0x19600] =	vst v63  }
.LBB2_2:
0x58: {  	s1 =	simm.s32 $0x0  }
0x59: {  	v4 =	vor.u32 s1, v0  }
0x5a: {  	vm0 =	vlt.u32 v4, $0xC8  }
0x5b: {  	v4 =	vnsel vm0, $0x0, v4;
	_ =	sdelay $0x1  }
0x5c: {  	_ =	swait.ge [sflag:s22], $0x6400  }
0x5d: {  	[sflag:s22] =	ssyncset.done $0x0  }
0x5e: {  	[sflag:s22] =	ssyncadd.s32 $0xFFFF9C00  }
0x5f: {  	v5 =	vld.idx.msk [tilespmem:v4+s23+$0x0], $0xffff;
	_ =	sdelay $0x4  }
0x60: {  	v4 =	vshll.u32 v4, $0x7;
	v6 =	vand.u32 $0xFFFFFF80, v5  }
0x61: {  	vm0 =	vmmov vm0;
	v7 =	vand.u32 $0x7F, v5;
	v6 =	vadd.s32 v4, v6  }
0x62: {  	v6 =	vor.u32 v7, v6;
	_ =	sdelay $0x2  }
0x63: {  	v7 =	vadd.s32 $0x10, v5  }
0x64: {  	v8 =	vand.u32 $0xFFFFFF80, v7  }
0x65: {  	v9 =	vor.u32 v0, v4;
	v7 =	vand.u32 $0x7F, v7;
	v8 =	vadd.s32 v4, v8;
	v6 =	vld.idx.msk [tilespmem:v6+s18+$0x0], vm0  }
0x66: {  	v7 =	vor.u32 v7, v8;
	_ =	sdelay $0x2  }
0x67: {  	v8 =	vadd.s32 $0x20, v5  }
0x68: {  	v10 =	vand.u32 $0xFFFFFF80, v8;
	[tilespmem:v9+s24+$0x0] =	vst.idx.msk vm0, v6  }
0x69: {  	v63 =	vor.u32 v1, v4;
	v8 =	vand.u32 $0x7F, v8;
	v6 =	vadd.s32 v4, v10;
	v7 =	vld.idx.msk [tilespmem:v7+s18+$0x0], vm0  }
0x6a: {  	v6 =	vor.u32 v8, v6;
	_ =	sdelay $0x2  }
0x6b: {  	v5 =	vadd.s32 $0x30, v5  }
0x6c: {  	v8 =	vand.u32 $0xFFFFFF80, v5;
	[tilespmem:v63+s24+$0x0] =	vst.idx.msk vm0, v7  }
0x6d: {  	v5 =	vand.u32 $0x7F, v5;
	v7 =	vadd.s32 v4, v8;
	v8 =	vor.u32 v2, v4;
	v6 =	vld.idx.msk [tilespmem:v6+s18+$0x0], vm0  }
0x6e: {  	v5 =	vor.u32 v5, v7;
	_ =	sdelay $0x2  }
0x6f: {  	s13 =	simm.s32 $0x10  }
0x70: {  	v7 =	vor.u32 s13, v0;
	[tilespmem:v8+s24+$0x0] =	vst.idx.msk vm0, v6  }
0x71: {  	vm1 =	vlt.u32 v7, $0xC8;
	v6 =	vor.u32 v3, v4;
	v5 =	vld.idx.msk [tilespmem:v5+s18+$0x0], vm0  }
0x72: {  	s1 =	simm.s32 $0x20;
	v4 =	vnsel vm1, $0x0, v7  }
.LBB2_3:
0x73: {  	_ =	sdelay $0x2  }
0x74: {  	p0 =	sne.s32 s1, $0xC0;
	s8 =	smov.u32 s1;
	s1 =	sadd.s32 $0x10, s1;
	[tilespmem:v6+s24+$0x0] =	vst.idx.msk vm0, v5;
	vm0 =	vmmov vm1  }
0x75: {  	v5 =	vld.idx.msk [tilespmem:v4+s23+$0x0], $0xffff;
	_ =	sdelay $0x5  }
0x76: {  	v4 =	vshll.u32 v4, $0x7;
	v6 =	vand.u32 $0xFFFFFF80, v5;
	v7 =	vadd.s32 $0x10, v5  }
0x77: {  	v8 =	vand.u32 $0x7F, v5;
	v6 =	vadd.s32 v4, v6;
	v9 =	vand.u32 $0xFFFFFF80, v7  }
0x78: {  	v6 =	vor.u32 v8, v6;
	v8 =	vadd.s32 v4, v9;
	v9 =	vadd.s32 $0x20, v5  }
0x79: {  	v5 =	vadd.s32 $0x30, v5;
	v10 =	vand.u32 $0xFFFFFF80, v9  }
0x7a: {  	v11 =	vand.u32 $0xFFFFFF80, v5;
	v10 =	vadd.s32 v4, v10  }
0x7b: {  	v11 =	vadd.s32 v4, v11;
	_ =	sdelay $0x1  }
0x7c: {  	v6 =	vld.idx.msk [tilespmem:v6+s18+$0x0], vm1  }
0x7d: {  	v12 =	vor.u32 v0, v4;
	v7 =	vand.u32 $0x7F, v7  }
0x7e: {  	v7 =	vor.u32 v7, v8;
	_ =	sdelay $0x3  }
0x7f: {  	[tilespmem:v12+s24+$0x0] =	vst.idx.msk vm1, v6  }
0x80: {  	v6 =	vld.idx.msk [tilespmem:v7+s18+$0x0], vm1  }
0x81: {  	v8 =	vand.u32 $0x7F, v9;
	v7 =	vor.u32 v1, v4  }
0x82: {  	v8 =	vor.u32 v8, v10;
	_ =	sdelay $0x3  }
0x83: {  	[tilespmem:v7+s24+$0x0] =	vst.idx.msk vm0, v6  }
0x84: {  	v6 =	vld.idx.msk [tilespmem:v8+s18+$0x0], vm0  }
0x85: {  	v5 =	vand.u32 $0x7F, v5;
	v7 =	vor.u32 v2, v4  }
0x86: {  	v5 =	vor.u32 v5, v11;
	_ =	sdelay $0x2  }
.Ltmp0:
0x87: {  	(pc) =	sbr.rel @p0 .LBB2_3-.Ltmp0, $4  }
0x88: {  	[tilespmem:v7+s24+$0x0] =	vst.idx.msk vm0, v6  }
0x89: {  	v7 =	vor.u32 s8, v0;
	v5 =	vld.idx.msk [tilespmem:v5+s18+$0x0], vm0  }
0x8a: {  	v6 =	vor.u32 v3, v4;
	vm1 =	vlt.u32 v7, $0xC8  }
0x8b: {  	v4 =	vnsel vm1, $0x0, v7  }
0x8c: {  	_ =	sdelay $0x4  }
0x8d: {  	[tilespmem:v6+s24+$0x0] =	vst.idx.msk vm0, v5  }
0x8e: {  	v5 =	vld.idx.msk [tilespmem:v4+s23+$0x0], $0xffff;
	_ =	sdelay $0x4  }
0x8f: {  	v4 =	vshll.u32 v4, $0x7;
	v6 =	vand.u32 $0xFFFFFF80, v5  }
0x90: {  	v7 =	vand.u32 $0x7F, v5;
	v6 =	vadd.s32 v4, v6  }
0x91: {  	v6 =	vor.u32 v7, v6;
	_ =	sdelay $0x2  }
0x92: {  	v7 =	vadd.s32 $0x10, v5  }
0x93: {  	v8 =	vand.u32 $0xFFFFFF80, v7  }
0x94: {  	v9 =	vor.u32 v0, v4;
	v7 =	vand.u32 $0x7F, v7;
	v8 =	vadd.s32 v4, v8;
	v6 =	vld.idx.msk [tilespmem:v6+s18+$0x0], vm1  }
0x95: {  	v7 =	vor.u32 v7, v8;
	_ =	sdelay $0x2  }
0x96: {  	v8 =	vadd.s32 $0x20, v5  }
0x97: {  	v10 =	vand.u32 $0xFFFFFF80, v8;
	[tilespmem:v9+s24+$0x0] =	vst.idx.msk vm1, v6  }
0x98: {  	v60 =	vor.u32 v1, v4;
	v8 =	vand.u32 $0x7F, v8;
	v6 =	vadd.s32 v4, v10;
	v7 =	vld.idx.msk [tilespmem:v7+s18+$0x0], vm1  }
0x99: {  	v6 =	vor.u32 v8, v6;
	_ =	sdelay $0x2  }
0x9a: {  	v5 =	vadd.s32 $0x30, v5  }
0x9b: {  	v8 =	vand.u32 $0xFFFFFF80, v5;
	[tilespmem:v60+s24+$0x0] =	vst.idx.msk vm1, v7  }
0x9c: {  	v5 =	vand.u32 $0x7F, v5;
	v7 =	vadd.s32 v4, v8;
	v8 =	vor.u32 v2, v4;
	v6 =	vld.idx.msk [tilespmem:v6+s18+$0x0], vm1  }
0x9d: {  	v5 =	vor.u32 v5, v7;
	_ =	sdelay $0x3  }
0x9e: {  	[tilespmem:v8+s24+$0x0] =	vst.idx.msk vm1, v6  }
0x9f: {  	s1 =	sshll.u32 s0, $0x1;
	v4 =	vor.u32 v3, v4;
	v5 =	vld.idx.msk [tilespmem:v5+s18+$0x0], vm1  }
0xa0: {  	s8 =	sadd.s32 s1, s9  }
0xa1: {  	s8 =	smul.u32 $0x6400, s8;
	_ =	sdelay $0x1  }
0xa2: {  	s8 =	sshrl.u32 s8, $0x3  }
0xa3: {  	s12 =	simm.s32 $0x0;
	s13 =	sadd.s32 s6, s8;
	s8 =	smul.u32 $0x190, s0;
	[tilespmem:v4+s24+$0x0] =	vst.idx.msk vm1, v5  }
0xa4: {  	[hbm4b:s13+s12] =	stream.linear.scatter [tilespmem:s24], [sflag:$0x3], $0x6400, $0x38;
	[tilespmem:$0x19600] =	vst v63  }
0xa5: {  	s13 =	sadd.s32 s4, s8;
	_ =	swait.ge [sflag:s25], $0x6400  }
0xa6: {  	s13 =	sshrl.u32 s13, $0x3;
	[sflag:s25] =	ssyncset.done $0x0  }
0xa7: {  	s13 =	sadd.s32 s3, s13;
	[sflag:s25] =	ssyncadd.s32 $0xFFFF9C00  }
0xa8: {  	[tilespmem:s12], [sflag:$0x5] =	stream.linear.gather [hbm4b:s13+s12], $0xC8, $0x38;
	[tilespmem:$0x19600] =	vst v63  }
0xa9: {  	_ =	swait.ge [sflag:s15], $0xC8  }
0xaa: {  	[sflag:s15] =	ssyncset.done $0x0  }
0xab: {  	[sflag:s15] =	ssyncadd.s32 $0xFFFFFF38  }
0xac: {  	v4 =	vld [tilespmem:$0x0];
	_ =	sdelay $0x1  }
0xad: {  	v5 =	vld [tilespmem:$0x10];
	_ =	sdelay $0x1  }
0xae: {  	v6 =	vld [tilespmem:$0x20]  }
0xaf: {  	v7 =	vshrl.u32 v4, $0x1;
	v4 =	vshll.u32 v4, $0x6  }
0xb0: {  	[tilespmem:$0x200] =	vst v7;
	v4 =	vand.u32 $0x40, v4;
	v7 =	vld [tilespmem:$0x30]  }
0xb1: {  	[tilespmem:$0x400] =	vst v4;
	v4 =	vshrl.u32 v5, $0x1;
	v5 =	vshll.u32 v5, $0x6  }
0xb2: {  	[tilespmem:$0x210] =	vst v4;
	v4 =	vand.u32 $0x40, v5;
	v5 =	vld [tilespmem:$0x40]  }
0xb3: {  	[tilespmem:$0x410] =	vst v4;
	v4 =	vshrl.u32 v6, $0x1;
	v6 =	vshll.u32 v6, $0x6  }
0xb4: {  	[tilespmem:$0x220] =	vst v4;
	v4 =	vand.u32 $0x40, v6;
	v6 =	vld [tilespmem:$0x50]  }
0xb5: {  	[tilespmem:$0x420] =	vst v4;
	v4 =	vshrl.u32 v7, $0x1;
	v7 =	vshll.u32 v7, $0x6  }
0xb6: {  	[tilespmem:$0x230] =	vst v4;
	v4 =	vand.u32 $0x40, v7;
	v7 =	vld [tilespmem:$0x60]  }
0xb7: {  	[tilespmem:$0x430] =	vst v4;
	v4 =	vshrl.u32 v5, $0x1;
	v5 =	vshll.u32 v5, $0x6  }
0xb8: {  	[tilespmem:$0x240] =	vst v4;
	v4 =	vand.u32 $0x40, v5;
	v5 =	vld [tilespmem:$0x70]  }
0xb9: {  	[tilespmem:$0x440] =	vst v4;
	v4 =	vshrl.u32 v6, $0x1;
	v6 =	vshll.u32 v6, $0x6  }
0xba: {  	[tilespmem:$0x250] =	vst v4;
	v4 =	vand.u32 $0x40, v6;
	v6 =	vld [tilespmem:$0x80]  }
0xbb: {  	[tilespmem:$0x450] =	vst v4;
	v4 =	vshrl.u32 v7, $0x1;
	v7 =	vshll.u32 v7, $0x6  }
0xbc: {  	[tilespmem:$0x260] =	vst v4;
	v4 =	vand.u32 $0x40, v7;
	v7 =	vld [tilespmem:$0x90]  }
0xbd: {  	[tilespmem:$0x460] =	vst v4;
	v4 =	vshrl.u32 v5, $0x1;
	v5 =	vshll.u32 v5, $0x6  }
0xbe: {  	[tilespmem:$0x270] =	vst v4;
	v4 =	vand.u32 $0x40, v5;
	v5 =	vld [tilespmem:$0xA0]  }
0xbf: {  	[tilespmem:$0x470] =	vst v4;
	v4 =	vshrl.u32 v6, $0x1;
	v6 =	vshll.u32 v6, $0x6  }
0xc0: {  	[tilespmem:$0x280] =	vst v4;
	v4 =	vand.u32 $0x40, v6;
	v6 =	vld [tilespmem:$0xB0]  }
0xc1: {  	[tilespmem:$0x480] =	vst v4;
	v4 =	vshrl.u32 v7, $0x1;
	v7 =	vshll.u32 v7, $0x6  }
0xc2: {  	[tilespmem:$0x290] =	vst v4;
	v4 =	vand.u32 $0x40, v7;
	v7 =	vld [tilespmem:$0xB8]  }
0xc3: {  	[tilespmem:$0x490] =	vst v4;
	v4 =	vshrl.u32 v5, $0x1;
	v5 =	vshll.u32 v5, $0x6  }
0xc4: {  	[tilespmem:$0x2A0] =	vst v4;
	v4 =	vand.u32 $0x40, v5  }
0xc5: {  	[tilespmem:$0x4A0] =	vst v4;
	v4 =	vshrl.u32 v6, $0x1;
	v5 =	vshll.u32 v6, $0x6  }
0xc6: {  	vm0 =	vmmov vm1;
	[tilespmem:$0x2B0] =	vst v4;
	v4 =	vand.u32 $0x40, v5  }
0xc7: {  	v6 =	vor.u32 s12, v0;
	[tilespmem:$0x4B0] =	vst v4;
	v4 =	vshrl.u32 v7, $0x1;
	v5 =	vshll.u32 v7, $0x6  }
0xc8: {  	vm0 =	vlt.u32 v6, $0xC8;
	[tilespmem:$0x2B8] =	vst v4;
	v4 =	vand.u32 $0x40, v5  }
0xc9: {  	[tilespmem:$0x4B8] =	vst v4;
	v4 =	vnsel vm0, $0x0, v6  }
0xca: {  	[tilespmem:s18], [sflag:$0x1] =	stream.indirect.gather [hbm4b:s5+s16], $0x80, s17, s16, $0xb8;
	[tilespmem:$0x19600] =	vst v63  }
0xcb: {  	_ =	swait.ge [sflag:s26], $0x6400  }
0xcc: {  	[sflag:s26] =	ssyncset.done $0x0  }
0xcd: {  	[sflag:s26] =	ssyncadd.s32 $0xFFFF9C00  }
0xce: {  	v5 =	vld.idx.msk [tilespmem:v4+s28+$0x0], $0xffff;
	_ =	sdelay $0x4  }
0xcf: {  	v4 =	vshll.u32 v4, $0x7;
	v6 =	vand.u32 $0xFFFFFF80, v5  }
0xd0: {  	vm0 =	vmmov vm0;
	v7 =	vand.u32 $0x7F, v5;
	v6 =	vadd.s32 v4, v6  }
0xd1: {  	v6 =	vor.u32 v7, v6;
	_ =	sdelay $0x2  }
0xd2: {  	v7 =	vadd.s32 $0x10, v5  }
0xd3: {  	v8 =	vand.u32 $0xFFFFFF80, v7  }
0xd4: {  	v61 =	vor.u32 v0, v4;
	v7 =	vand.u32 $0x7F, v7;
	v8 =	vadd.s32 v4, v8;
	v6 =	vld.idx.msk [tilespmem:v6+s21+$0x0], vm0  }
0xd5: {  	v7 =	vor.u32 v7, v8;
	_ =	sdelay $0x2  }
0xd6: {  	v8 =	vadd.s32 $0x20, v5  }
0xd7: {  	v62 =	vand.u32 $0xFFFFFF80, v8;
	[tilespmem:v61+s29+$0x0] =	vst.idx.msk vm0, v6  }
0xd8: {  	v63 =	vor.u32 v1, v4;
	v8 =	vand.u32 $0x7F, v8;
	v6 =	vadd.s32 v4, v62;
	v7 =	vld.idx.msk [tilespmem:v7+s21+$0x0], vm0  }
0xd9: {  	v6 =	vor.u32 v8, v6;
	_ =	sdelay $0x2  }
0xda: {  	v5 =	vadd.s32 $0x30, v5  }
0xdb: {  	v8 =	vand.u32 $0xFFFFFF80, v5;
	[tilespmem:v63+s29+$0x0] =	vst.idx.msk vm0, v7  }
0xdc: {  	v5 =	vand.u32 $0x7F, v5;
	v7 =	vadd.s32 v4, v8;
	v8 =	vor.u32 v2, v4;
	v6 =	vld.idx.msk [tilespmem:v6+s21+$0x0], vm0  }
0xdd: {  	v5 =	vor.u32 v5, v7;
	_ =	sdelay $0x2  }
0xde: {  	s13 =	simm.s32 $0x10  }
0xdf: {  	v7 =	vor.u32 s13, v0;
	[tilespmem:v8+s29+$0x0] =	vst.idx.msk vm0, v6  }
0xe0: {  	vm1 =	vlt.u32 v7, $0xC8;
	v6 =	vor.u32 v3, v4;
	v5 =	vld.idx.msk [tilespmem:v5+s21+$0x0], vm0  }
0xe1: {  	s12 =	simm.s32 $0x20;
	v4 =	vnsel vm1, $0x0, v7  }
.LBB2_5:
0xe2: {  	_ =	sdelay $0x2  }
0xe3: {  	p0 =	sne.s32 s12, $0xC0;
	s13 =	smov.u32 s12;
	s12 =	sadd.s32 $0x10, s12;
	[tilespmem:v6+s29+$0x0] =	vst.idx.msk vm0, v5;
	vm0 =	vmmov vm1  }
0xe4: {  	v5 =	vld.idx.msk [tilespmem:v4+s28+$0x0], $0xffff;
	_ =	sdelay $0x5  }
0xe5: {  	v4 =	vshll.u32 v4, $0x7;
	v6 =	vand.u32 $0xFFFFFF80, v5;
	v7 =	vadd.s32 $0x10, v5  }
0xe6: {  	v8 =	vand.u32 $0x7F, v5;
	v6 =	vadd.s32 v4, v6;
	v9 =	vand.u32 $0xFFFFFF80, v7  }
0xe7: {  	v6 =	vor.u32 v8, v6;
	v8 =	vadd.s32 v4, v9;
	v9 =	vadd.s32 $0x20, v5  }
0xe8: {  	v5 =	vadd.s32 $0x30, v5;
	v10 =	vand.u32 $0xFFFFFF80, v9  }
0xe9: {  	v11 =	vand.u32 $0xFFFFFF80, v5;
	v10 =	vadd.s32 v4, v10  }
0xea: {  	v11 =	vadd.s32 v4, v11;
	_ =	sdelay $0x1  }
0xeb: {  	v6 =	vld.idx.msk [tilespmem:v6+s21+$0x0], vm1  }
0xec: {  	v12 =	vor.u32 v0, v4;
	v7 =	vand.u32 $0x7F, v7  }
0xed: {  	v7 =	vor.u32 v7, v8;
	_ =	sdelay $0x3  }
0xee: {  	[tilespmem:v12+s29+$0x0] =	vst.idx.msk vm1, v6  }
0xef: {  	v6 =	vld.idx.msk [tilespmem:v7+s21+$0x0], vm1  }
0xf0: {  	v8 =	vand.u32 $0x7F, v9;
	v7 =	vor.u32 v1, v4  }
0xf1: {  	v8 =	vor.u32 v8, v10;
	_ =	sdelay $0x3  }
0xf2: {  	[tilespmem:v7+s29+$0x0] =	vst.idx.msk vm0, v6  }
0xf3: {  	v6 =	vld.idx.msk [tilespmem:v8+s21+$0x0], vm0  }
0xf4: {  	v5 =	vand.u32 $0x7F, v5;
	v7 =	vor.u32 v2, v4  }
0xf5: {  	v5 =	vor.u32 v5, v11;
	_ =	sdelay $0x2  }
.Ltmp1:
0xf6: {  	(pc) =	sbr.rel @p0 .LBB2_5-.Ltmp1, $4  }
0xf7: {  	[tilespmem:v7+s29+$0x0] =	vst.idx.msk vm0, v6  }
0xf8: {  	v7 =	vor.u32 s13, v0;
	v5 =	vld.idx.msk [tilespmem:v5+s21+$0x0], vm0  }
0xf9: {  	v6 =	vor.u32 v3, v4;
	vm1 =	vlt.u32 v7, $0xC8  }
0xfa: {  	v4 =	vnsel vm1, $0x0, v7  }
0xfb: {  	_ =	sdelay $0x4  }
0xfc: {  	[tilespmem:v6+s29+$0x0] =	vst.idx.msk vm0, v5  }
0xfd: {  	v5 =	vld.idx.msk [tilespmem:v4+s28+$0x0], $0xffff;
	_ =	sdelay $0x4  }
0xfe: {  	v4 =	vshll.u32 v4, $0x7;
	v47 =	vand.u32 $0xFFFFFF80, v5  }
0xff: {  	v7 =	vand.u32 $0x7F, v5;
	v6 =	vadd.s32 v4, v47  }
0x100: {  	v6 =	vor.u32 v7, v6;
	_ =	sdelay $0x2  }
0x101: {  	v48 =	vadd.s32 $0x10, v5  }
0x102: {  	v8 =	vand.u32 $0xFFFFFF80, v48  }
0x103: {  	v9 =	vor.u32 v0, v4;
	v8 =	vadd.s32 v4, v8;
	v7 =	vand.u32 $0x7F, v48;
	v6 =	vld.idx.msk [tilespmem:v6+s21+$0x0], vm1  }
0x104: {  	v7 =	vor.u32 v7, v8;
	_ =	sdelay $0x2  }
0x105: {  	v49 =	vadd.s32 $0x20, v5  }
0x106: {  	v10 =	vand.u32 $0xFFFFFF80, v49;
	[tilespmem:v9+s29+$0x0] =	vst.idx.msk vm1, v6  }
0x107: {  	v51 =	vor.u32 v1, v4;
	v50 =	vadd.s32 v4, v10;
	v8 =	vand.u32 $0x7F, v49;
	v7 =	vld.idx.msk [tilespmem:v7+s21+$0x0], vm1  }
0x108: {  	v6 =	vor.u32 v8, v50;
	_ =	sdelay $0x2  }
0x109: {  	v5 =	vadd.s32 $0x30, v5  }
0x10a: {  	v52 =	vand.u32 $0xFFFFFF80, v5;
	[tilespmem:v51+s29+$0x0] =	vst.idx.msk vm1, v7  }
0x10b: {  	v54 =	vor.u32 v2, v4;
	v5 =	vand.u32 $0x7F, v5;
	v53 =	vadd.s32 v4, v52;
	v6 =	vld.idx.msk [tilespmem:v6+s21+$0x0], vm1  }
0x10c: {  	v5 =	vor.u32 v5, v53;
	_ =	sdelay $0x3  }
0x10d: {  	[tilespmem:v54+s29+$0x0] =	vst.idx.msk vm1, v6  }
0x10e: {  	v4 =	vor.u32 v3, v4;
	v5 =	vld.idx.msk [tilespmem:v5+s21+$0x0], vm1;
	_ =	sdelay $0x1  }
0x10f: {  	s1 =	sadd.s32 s1, s10  }
0x110: {  	s1 =	smul.u32 $0xC80, s1;
	_ =	sdelay $0x1  }
0x111: {  	s1 =	sadd.s32 s6, s1;
	[tilespmem:v4+s29+$0x0] =	vst.idx.msk vm1, v5  }
0x112: {  	[hbm4b:s1+s2] =	stream.linear.scatter [tilespmem:s29], [sflag:$0x4], $0x6400, $0x38;
	[tilespmem:$0x19600] =	vst v63  }
0x113: {  	s13 =	sadd.s32 s8, s11;
	_ =	swait.ge [sflag:s30], $0x6400  }
0x114: {  	s1 =	sshrl.u32 s13, $0x3;
	[sflag:s30] =	ssyncset.done $0x0  }
0x115: {  	s1 =	sadd.s32 s3, s1;
	[sflag:s30] =	ssyncadd.s32 $0xFFFF9C00  }
0x116: {  	[tilespmem:s19], [sflag:$0x5] =	stream.linear.gather [hbm4b:s1+s2], $0xC8, $0x38;
	[tilespmem:$0x19600] =	vst v63  }
0x117: {  	_ =	swait.ge [sflag:s15], $0xC8  }
0x118: {  	[sflag:s15] =	ssyncset.done $0x0  }
0x119: {  	[sflag:s15] =	ssyncadd.s32 $0xFFFFFF38  }
0x11a: {  	v4 =	vld [tilespmem:$0x100];
	_ =	sdelay $0x1  }
0x11b: {  	v5 =	vld [tilespmem:$0x110];
	_ =	sdelay $0x1  }
0x11c: {  	v55 =	vld [tilespmem:$0x120]  }
0x11d: {  	v56 =	vshrl.u32 v4, $0x1;
	v4 =	vshll.u32 v4, $0x6  }
0x11e: {  	v57 =	vld [tilespmem:$0x130];
	[tilespmem:$0x300] =	vst v56;
	v4 =	vand.u32 $0x40, v4  }
0x11f: {  	[tilespmem:$0x500] =	vst v4;
	v4 =	vshrl.u32 v5, $0x1;
	v5 =	vshll.u32 v5, $0x6  }
0x120: {  	[tilespmem:$0x310] =	vst v4;
	v4 =	vand.u32 $0x40, v5;
	v5 =	vld [tilespmem:$0x140]  }
0x121: {  	v6 =	vshll.u32 v55, $0x6;
	[tilespmem:$0x510] =	vst v4;
	v4 =	vshrl.u32 v55, $0x1  }
0x122: {  	v58 =	vld [tilespmem:$0x150];
	[tilespmem:$0x320] =	vst v4;
	v4 =	vand.u32 $0x40, v6  }
0x123: {  	v7 =	vshll.u32 v57, $0x6;
	[tilespmem:$0x520] =	vst v4;
	v4 =	vshrl.u32 v57, $0x1  }
0x124: {  	v59 =	vld [tilespmem:$0x160];
	[tilespmem:$0x330] =	vst v4;
	v4 =	vand.u32 $0x40, v7  }
0x125: {  	[tilespmem:$0x530] =	vst v4;
	v4 =	vshrl.u32 v5, $0x1;
	v5 =	vshll.u32 v5, $0x6  }
0x126: {  	[tilespmem:$0x340] =	vst v4;
	v4 =	vand.u32 $0x40, v5;
	v5 =	vld [tilespmem:$0x170]  }
0x127: {  	v6 =	vshll.u32 v58, $0x6;
	[tilespmem:$0x540] =	vst v4;
	v4 =	vshrl.u32 v58, $0x1  }
0x128: {  	v60 =	vld [tilespmem:$0x180];
	[tilespmem:$0x350] =	vst v4;
	v4 =	vand.u32 $0x40, v6  }
0x129: {  	v7 =	vshll.u32 v59, $0x6;
	[tilespmem:$0x550] =	vst v4;
	v4 =	vshrl.u32 v59, $0x1  }
0x12a: {  	v61 =	vld [tilespmem:$0x190];
	[tilespmem:$0x360] =	vst v4;
	v4 =	vand.u32 $0x40, v7  }
0x12b: {  	[tilespmem:$0x560] =	vst v4;
	v4 =	vshrl.u32 v5, $0x1;
	v5 =	vshll.u32 v5, $0x6  }
0x12c: {  	[tilespmem:$0x370] =	vst v4;
	v4 =	vand.u32 $0x40, v5;
	v5 =	vld [tilespmem:$0x1A0]  }
0x12d: {  	v6 =	vshll.u32 v60, $0x6;
	[tilespmem:$0x570] =	vst v4;
	v4 =	vshrl.u32 v60, $0x1  }
0x12e: {  	v62 =	vld [tilespmem:$0x1B0];
	[tilespmem:$0x380] =	vst v4;
	v4 =	vand.u32 $0x40, v6  }
0x12f: {  	v7 =	vshll.u32 v61, $0x6;
	[tilespmem:$0x580] =	vst v4;
	v4 =	vshrl.u32 v61, $0x1  }
0x130: {  	v63 =	vld [tilespmem:$0x1B8];
	[tilespmem:$0x390] =	vst v4;
	v4 =	vand.u32 $0x40, v7  }
0x131: {  	[tilespmem:$0x590] =	vst v4;
	v4 =	vshrl.u32 v5, $0x1;
	v5 =	vshll.u32 v5, $0x6  }
0x132: {  	s0 =	sadd.s32 $0x1, s0;
	[tilespmem:$0x3A0] =	vst v4;
	v4 =	vand.u32 $0x40, v5  }
0x133: {  	p0 =	sne.s32 s0, $0x100;
	v5 =	vshll.u32 v62, $0x6;
	[tilespmem:$0x5A0] =	vst v4;
	v4 =	vshrl.u32 v62, $0x1  }
.Ltmp2:
0x134: {  	[tilespmem:$0x3B0] =	vst v4;
	v4 =	vand.u32 $0x40, v5;
	(pc) =	sbr.rel @p0 .LBB2_2-.Ltmp2, $4  }
0x135: {  	v5 =	vshll.u32 v63, $0x6;
	[tilespmem:$0x5B0] =	vst v4;
	v4 =	vshrl.u32 v63, $0x1  }
0x136: {  	[tilespmem:$0x3B8] =	vst v4;
	v4 =	vand.u32 $0x40, v5  }
0x137: {  	[tilespmem:$0x5B8] =	vst v4  }
0x138: {  	vm15 =	vmmov vm1;
	[tilespmem:s21], [sflag:$0x2] =	stream.indirect.gather [hbm4b:s5+s16], $0x80, s20, s16, $0xb8;
	[tilespmem:$0x19600] =	vst v63  }
0x139: {  	s0 =	simm.s32 $0x0  }
0x13a: {  	v4 =	vor.u32 s0, v0  }
0x13b: {  	vm0 =	vlt.u32 v4, $0xC8  }
0x13c: {  	v4 =	vnsel vm0, $0x0, v4;
	_ =	sdelay $0x1  }
0x13d: {  	_ =	swait.ge [sflag:s22], $0x6400  }
0x13e: {  	[sflag:s22] =	ssyncset.done $0x0  }
0x13f: {  	[sflag:s22] =	ssyncadd.s32 $0xFFFF9C00  }
0x140: {  	v5 =	vld.idx.msk [tilespmem:v4+s23+$0x0], $0xffff;
	_ =	sdelay $0x4  }
0x141: {  	v4 =	vshll.u32 v4, $0x7;
	v6 =	vand.u32 $0xFFFFFF80, v5  }
0x142: {  	vm0 =	vmmov vm0;
	v7 =	vand.u32 $0x7F, v5;
	v6 =	vadd.s32 v4, v6  }
0x143: {  	v6 =	vor.u32 v7, v6;
	_ =	sdelay $0x2  }
0x144: {  	v7 =	vadd.s32 $0x10, v5  }
0x145: {  	v8 =	vand.u32 $0xFFFFFF80, v7  }
0x146: {  	v9 =	vor.u32 v0, v4;
	v7 =	vand.u32 $0x7F, v7;
	v8 =	vadd.s32 v4, v8;
	v6 =	vld.idx.msk [tilespmem:v6+s18+$0x0], vm0  }
0x147: {  	v7 =	vor.u32 v7, v8;
	_ =	sdelay $0x2  }
0x148: {  	v8 =	vadd.s32 $0x20, v5  }
0x149: {  	v10 =	vand.u32 $0xFFFFFF80, v8;
	[tilespmem:v9+s24+$0x0] =	vst.idx.msk vm0, v6  }
0x14a: {  	v63 =	vor.u32 v1, v4;
	v8 =	vand.u32 $0x7F, v8;
	v6 =	vadd.s32 v4, v10;
	v7 =	vld.idx.msk [tilespmem:v7+s18+$0x0], vm0  }
0x14b: {  	v6 =	vor.u32 v8, v6;
	_ =	sdelay $0x2  }
0x14c: {  	v5 =	vadd.s32 $0x30, v5  }
0x14d: {  	v8 =	vand.u32 $0xFFFFFF80, v5;
	[tilespmem:v63+s24+$0x0] =	vst.idx.msk vm0, v7  }
0x14e: {  	v5 =	vand.u32 $0x7F, v5;
	v7 =	vadd.s32 v4, v8;
	v8 =	vor.u32 v2, v4;
	v6 =	vld.idx.msk [tilespmem:v6+s18+$0x0], vm0  }
0x14f: {  	v5 =	vor.u32 v5, v7;
	_ =	sdelay $0x2  }
0x150: {  	s13 =	simm.s32 $0x10  }
0x151: {  	v7 =	vor.u32 s13, v0;
	[tilespmem:v8+s24+$0x0] =	vst.idx.msk vm0, v6  }
0x152: {  	vm1 =	vlt.u32 v7, $0xC8;
	v6 =	vor.u32 v3, v4;
	v5 =	vld.idx.msk [tilespmem:v5+s18+$0x0], vm0  }
0x153: {  	s0 =	simm.s32 $0x20;
	v4 =	vnsel vm1, $0x0, v7  }
.LBB2_8:
0x154: {  	_ =	sdelay $0x2  }
0x155: {  	p0 =	sne.s32 s0, $0xC0;
	s1 =	smov.u32 s0;
	s0 =	sadd.s32 $0x10, s0;
	[tilespmem:v6+s24+$0x0] =	vst.idx.msk vm0, v5;
	vm0 =	vmmov vm1  }
0x156: {  	v5 =	vld.idx.msk [tilespmem:v4+s23+$0x0], $0xffff;
	_ =	sdelay $0x5  }
0x157: {  	v4 =	vshll.u32 v4, $0x7;
	v6 =	vand.u32 $0xFFFFFF80, v5;
	v7 =	vadd.s32 $0x10, v5  }
0x158: {  	v8 =	vand.u32 $0x7F, v5;
	v6 =	vadd.s32 v4, v6;
	v9 =	vand.u32 $0xFFFFFF80, v7  }
0x159: {  	v6 =	vor.u32 v8, v6;
	v8 =	vadd.s32 v4, v9;
	v9 =	vadd.s32 $0x20, v5  }
0x15a: {  	v5 =	vadd.s32 $0x30, v5;
	v10 =	vand.u32 $0xFFFFFF80, v9  }
0x15b: {  	v11 =	vand.u32 $0xFFFFFF80, v5;
	v10 =	vadd.s32 v4, v10  }
0x15c: {  	v11 =	vadd.s32 v4, v11;
	_ =	sdelay $0x1  }
0x15d: {  	v6 =	vld.idx.msk [tilespmem:v6+s18+$0x0], vm1  }
0x15e: {  	v12 =	vor.u32 v0, v4;
	v7 =	vand.u32 $0x7F, v7  }
0x15f: {  	v7 =	vor.u32 v7, v8;
	_ =	sdelay $0x3  }
0x160: {  	[tilespmem:v12+s24+$0x0] =	vst.idx.msk vm1, v6  }
0x161: {  	v6 =	vld.idx.msk [tilespmem:v7+s18+$0x0], vm1  }
0x162: {  	v8 =	vand.u32 $0x7F, v9;
	v7 =	vor.u32 v1, v4  }
0x163: {  	v8 =	vor.u32 v8, v10;
	_ =	sdelay $0x3  }
0x164: {  	[tilespmem:v7+s24+$0x0] =	vst.idx.msk vm0, v6  }
0x165: {  	v6 =	vld.idx.msk [tilespmem:v8+s18+$0x0], vm0  }
0x166: {  	v5 =	vand.u32 $0x7F, v5;
	v7 =	vor.u32 v2, v4  }
0x167: {  	v5 =	vor.u32 v5, v11;
	_ =	sdelay $0x2  }
.Ltmp3:
0x168: {  	(pc) =	sbr.rel @p0 .LBB2_8-.Ltmp3, $4  }
0x169: {  	[tilespmem:v7+s24+$0x0] =	vst.idx.msk vm0, v6  }
0x16a: {  	v7 =	vor.u32 s1, v0;
	v5 =	vld.idx.msk [tilespmem:v5+s18+$0x0], vm0  }
0x16b: {  	v6 =	vor.u32 v3, v4;
	vm1 =	vlt.u32 v7, $0xC8  }
0x16c: {  	v4 =	vnsel vm1, $0x0, v7  }
0x16d: {  	_ =	sdelay $0x4  }
0x16e: {  	[tilespmem:v6+s24+$0x0] =	vst.idx.msk vm0, v5  }
0x16f: {  	v5 =	vld.idx.msk [tilespmem:v4+s23+$0x0], $0xffff;
	_ =	sdelay $0x4  }
0x170: {  	v4 =	vshll.u32 v4, $0x7;
	v6 =	vand.u32 $0xFFFFFF80, v5  }
0x171: {  	v7 =	vand.u32 $0x7F, v5;
	v6 =	vadd.s32 v4, v6  }
0x172: {  	v6 =	vor.u32 v7, v6;
	_ =	sdelay $0x2  }
0x173: {  	v7 =	vadd.s32 $0x10, v5  }
0x174: {  	v8 =	vand.u32 $0xFFFFFF80, v7  }
0x175: {  	v9 =	vor.u32 v0, v4;
	v7 =	vand.u32 $0x7F, v7;
	v8 =	vadd.s32 v4, v8;
	v6 =	vld.idx.msk [tilespmem:v6+s18+$0x0], vm1  }
0x176: {  	v7 =	vor.u32 v7, v8;
	_ =	sdelay $0x2  }
0x177: {  	v8 =	vadd.s32 $0x20, v5  }
0x178: {  	v10 =	vand.u32 $0xFFFFFF80, v8;
	[tilespmem:v9+s24+$0x0] =	vst.idx.msk vm1, v6  }
0x179: {  	v60 =	vor.u32 v1, v4;
	v8 =	vand.u32 $0x7F, v8;
	v6 =	vadd.s32 v4, v10;
	v7 =	vld.idx.msk [tilespmem:v7+s18+$0x0], vm1  }
0x17a: {  	v6 =	vor.u32 v8, v6;
	_ =	sdelay $0x2  }
0x17b: {  	v5 =	vadd.s32 $0x30, v5  }
0x17c: {  	v8 =	vand.u32 $0xFFFFFF80, v5;
	[tilespmem:v60+s24+$0x0] =	vst.idx.msk vm1, v7  }
0x17d: {  	v5 =	vand.u32 $0x7F, v5;
	v7 =	vadd.s32 v4, v8;
	v8 =	vor.u32 v2, v4;
	v6 =	vld.idx.msk [tilespmem:v6+s18+$0x0], vm1  }
0x17e: {  	v5 =	vor.u32 v5, v7;
	_ =	sdelay $0x3  }
0x17f: {  	vm0 =	vmmov vm1;
	[tilespmem:v8+s24+$0x0] =	vst.idx.msk vm1, v6  }
0x180: {  	v4 =	vor.u32 v3, v4;
	v5 =	vld.idx.msk [tilespmem:v5+s18+$0x0], vm1;
	_ =	sdelay $0x1  }
0x181: {  	s0 =	simm.s32 $0x0  }
0x182: {  	v6 =	vor.u32 s0, v0  }
0x183: {  	vm1 =	vlt.u32 v6, $0xC8  }
0x184: {  	s1 =	rddreg [dreg:$0x3];
	[tilespmem:v4+s24+$0x0] =	vst.idx.msk vm0, v5;
	v4 =	vnsel vm1, $0x0, v6  }
0x185: {  	[hbm4b:s1+s0] =	stream.linear.scatter [tilespmem:s24], [sflag:$0x3], $0x6400, $0x38;
	[tilespmem:$0x19600] =	vst v63  }
0x186: {  	_ =	swait.ge [sflag:s26], $0x6400  }
0x187: {  	[sflag:s26] =	ssyncset.done $0x0  }
0x188: {  	[sflag:s26] =	ssyncadd.s32 $0xFFFF9C00  }
0x189: {  	v5 =	vld.idx.msk [tilespmem:v4+s28+$0x0], $0xffff;
	_ =	sdelay $0x4  }
0x18a: {  	v4 =	vshll.u32 v4, $0x7;
	v6 =	vand.u32 $0xFFFFFF80, v5  }
0x18b: {  	v7 =	vand.u32 $0x7F, v5;
	v6 =	vadd.s32 v4, v6  }
0x18c: {  	v6 =	vor.u32 v7, v6;
	_ =	sdelay $0x2  }
0x18d: {  	v7 =	vadd.s32 $0x10, v5  }
0x18e: {  	v8 =	vand.u32 $0xFFFFFF80, v7  }
0x18f: {  	v61 =	vor.u32 v0, v4;
	v7 =	vand.u32 $0x7F, v7;
	v8 =	vadd.s32 v4, v8;
	v6 =	vld.idx.msk [tilespmem:v6+s21+$0x0], vm1  }
0x190: {  	v7 =	vor.u32 v7, v8;
	_ =	sdelay $0x2  }
0x191: {  	v8 =	vadd.s32 $0x20, v5  }
0x192: {  	v62 =	vand.u32 $0xFFFFFF80, v8;
	[tilespmem:v61+s29+$0x0] =	vst.idx.msk vm1, v6  }
0x193: {  	v63 =	vor.u32 v1, v4;
	v8 =	vand.u32 $0x7F, v8;
	v6 =	vadd.s32 v4, v62;
	v7 =	vld.idx.msk [tilespmem:v7+s21+$0x0], vm1  }
0x194: {  	v6 =	vor.u32 v8, v6;
	_ =	sdelay $0x2  }
0x195: {  	v5 =	vadd.s32 $0x30, v5  }
0x196: {  	vm0 =	vmmov vm1;
	v8 =	vand.u32 $0xFFFFFF80, v5;
	[tilespmem:v63+s29+$0x0] =	vst.idx.msk vm1, v7  }
0x197: {  	v5 =	vand.u32 $0x7F, v5;
	v7 =	vadd.s32 v4, v8;
	v8 =	vor.u32 v2, v4;
	v6 =	vld.idx.msk [tilespmem:v6+s21+$0x0], vm1  }
0x198: {  	v5 =	vor.u32 v5, v7;
	_ =	sdelay $0x2  }
0x199: {  	s13 =	simm.s32 $0x10  }
0x19a: {  	v7 =	vor.u32 s13, v0;
	[tilespmem:v8+s29+$0x0] =	vst.idx.msk vm1, v6  }
0x19b: {  	vm1 =	vlt.u32 v7, $0xC8;
	v6 =	vor.u32 v3, v4;
	v5 =	vld.idx.msk [tilespmem:v5+s21+$0x0], vm0  }
0x19c: {  	s0 =	simm.s32 $0x20;
	v4 =	vnsel vm1, $0x0, v7  }
.LBB2_10:
0x19d: {  	_ =	sdelay $0x2  }
0x19e: {  	p0 =	sne.s32 s0, $0xC0;
	s1 =	smov.u32 s0;
	s0 =	sadd.s32 $0x10, s0;
	[tilespmem:v6+s29+$0x0] =	vst.idx.msk vm0, v5;
	vm0 =	vmmov vm1  }
0x19f: {  	v5 =	vld.idx.msk [tilespmem:v4+s28+$0x0], $0xffff;
	_ =	sdelay $0x5  }
0x1a0: {  	v4 =	vshll.u32 v4, $0x7;
	v6 =	vand.u32 $0xFFFFFF80, v5;
	v7 =	vadd.s32 $0x10, v5  }
0x1a1: {  	v8 =	vand.u32 $0x7F, v5;
	v6 =	vadd.s32 v4, v6;
	v9 =	vand.u32 $0xFFFFFF80, v7  }
0x1a2: {  	v6 =	vor.u32 v8, v6;
	v8 =	vadd.s32 v4, v9;
	v9 =	vadd.s32 $0x20, v5  }
0x1a3: {  	v5 =	vadd.s32 $0x30, v5;
	v10 =	vand.u32 $0xFFFFFF80, v9  }
0x1a4: {  	v11 =	vand.u32 $0xFFFFFF80, v5;
	v10 =	vadd.s32 v4, v10  }
0x1a5: {  	v11 =	vadd.s32 v4, v11;
	_ =	sdelay $0x1  }
0x1a6: {  	v6 =	vld.idx.msk [tilespmem:v6+s21+$0x0], vm1  }
0x1a7: {  	v12 =	vor.u32 v0, v4;
	v7 =	vand.u32 $0x7F, v7  }
0x1a8: {  	v7 =	vor.u32 v7, v8;
	_ =	sdelay $0x3  }
0x1a9: {  	[tilespmem:v12+s29+$0x0] =	vst.idx.msk vm1, v6  }
0x1aa: {  	v6 =	vld.idx.msk [tilespmem:v7+s21+$0x0], vm1  }
0x1ab: {  	v8 =	vand.u32 $0x7F, v9;
	v7 =	vor.u32 v1, v4  }
0x1ac: {  	v8 =	vor.u32 v8, v10;
	_ =	sdelay $0x3  }
0x1ad: {  	[tilespmem:v7+s29+$0x0] =	vst.idx.msk vm0, v6  }
0x1ae: {  	v6 =	vld.idx.msk [tilespmem:v8+s21+$0x0], vm0  }
0x1af: {  	v5 =	vand.u32 $0x7F, v5;
	v7 =	vor.u32 v2, v4  }
0x1b0: {  	v5 =	vor.u32 v5, v11;
	_ =	sdelay $0x2  }
.Ltmp4:
0x1b1: {  	(pc) =	sbr.rel @p0 .LBB2_10-.Ltmp4, $4  }
0x1b2: {  	[tilespmem:v7+s29+$0x0] =	vst.idx.msk vm0, v6  }
0x1b3: {  	v7 =	vor.u32 s1, v0;
	v5 =	vld.idx.msk [tilespmem:v5+s21+$0x0], vm0  }
0x1b4: {  	v6 =	vor.u32 v3, v4;
	vm1 =	vlt.u32 v7, $0xC8  }
0x1b5: {  	v4 =	vnsel vm1, $0x0, v7  }
0x1b6: {  	_ =	sdelay $0x4  }
0x1b7: {  	[tilespmem:v6+s29+$0x0] =	vst.idx.msk vm0, v5  }
0x1b8: {  	v5 =	vld.idx.msk [tilespmem:v4+s28+$0x0], $0xffff;
	_ =	sdelay $0x4  }
0x1b9: {  	v4 =	vshll.u32 v4, $0x7;
	v56 =	vand.u32 $0xFFFFFF80, v5  }
0x1ba: {  	v7 =	vand.u32 $0x7F, v5;
	v6 =	vadd.s32 v4, v56  }
0x1bb: {  	v6 =	vor.u32 v7, v6;
	_ =	sdelay $0x2  }
0x1bc: {  	v57 =	vadd.s32 $0x10, v5  }
0x1bd: {  	v8 =	vand.u32 $0xFFFFFF80, v57  }
0x1be: {  	v9 =	vor.u32 v0, v4;
	v8 =	vadd.s32 v4, v8;
	v7 =	vand.u32 $0x7F, v57;
	v6 =	vld.idx.msk [tilespmem:v6+s21+$0x0], vm1  }
0x1bf: {  	v7 =	vor.u32 v7, v8;
	_ =	sdelay $0x2  }
0x1c0: {  	v58 =	vadd.s32 $0x20, v5  }
0x1c1: {  	v10 =	vand.u32 $0xFFFFFF80, v58;
	[tilespmem:v9+s29+$0x0] =	vst.idx.msk vm1, v6  }
0x1c2: {  	v60 =	vor.u32 v1, v4;
	v59 =	vadd.s32 v4, v10;
	v8 =	vand.u32 $0x7F, v58;
	v7 =	vld.idx.msk [tilespmem:v7+s21+$0x0], vm1  }
0x1c3: {  	v6 =	vor.u32 v8, v59;
	_ =	sdelay $0x2  }
0x1c4: {  	v5 =	vadd.s32 $0x30, v5  }
0x1c5: {  	v61 =	vand.u32 $0xFFFFFF80, v5;
	[tilespmem:v60+s29+$0x0] =	vst.idx.msk vm1, v7  }
0x1c6: {  	v63 =	vor.u32 v2, v4;
	v5 =	vand.u32 $0x7F, v5;
	v62 =	vadd.s32 v4, v61;
	v6 =	vld.idx.msk [tilespmem:v6+s21+$0x0], vm1  }
0x1c7: {  	v5 =	vor.u32 v5, v62;
	_ =	sdelay $0x3  }
0x1c8: {  	[tilespmem:v63+s29+$0x0] =	vst.idx.msk vm1, v6  }
0x1c9: {  	v4 =	vor.u32 v3, v4;
	v5 =	vld.idx.msk [tilespmem:v5+s21+$0x0], vm1;
	_ =	sdelay $0x4  }
0x1ca: {  	s0 =	rddreg [dreg:$0x4];
	s31 =	sadd.s32 $0x1, s31;
	[tilespmem:v4+s29+$0x0] =	vst.idx.msk vm1, v5  }
0x1cb: {  	[hbm4b:s0+s2] =	stream.linear.scatter [tilespmem:s29], [sflag:$0x4], $0x6400, $0x38;
	[tilespmem:$0x19600] =	vst v63  }
0x1cc: {  	p0 =	sne.s32 s31, s14;
	_ =	swait.ge [sflag:s25], $0x6400  }
.Ltmp5:
0x1cd: {  	[sflag:s25] =	ssyncset.done $0x0;
	(pc) =	sbr.rel @p0 .LBB2_1-.Ltmp5, $4  }
0x1ce: {  	[sflag:s25] =	ssyncadd.s32 $0xFFFF9C00  }
0x1cf: {  	_ =	swait.ge [sflag:s30], $0x6400  }
0x1d0: {  	[sflag:s30] =	ssyncset.done $0x0  }
0x1d1: {  	vm15 =	vmmov vm1;
	[sflag:s30] =	ssyncadd.s32 $0xFFFF9C00  }
0x1d2: {  	_ =	sfence.sel $0x180000  }
0x1d3: {  	[bflag:$0x0] =	sbarrier.arrive $0xFFFF  }
0x1d4: {  	_ =	strace $0x9000004A  }
0x1d5: {  	s0 =	stileid.u32;
	[bflag:$0x2] =	sbarrier.arrive $0xFFFF  }
0x1d6: {  	p0 =	sne.s32 s0, $0x0;
	s0 =	rddreg [dreg:$0x1]  }
0x1d7: {  	s0 =	sadd.s32 @!p0 $0x100000, s0  }
0x1d8: {  	[sflag:s0] =	ssyncadd.tile.s32 @!p0 $0x1;
	_ =	shalt  }
.Lfunc_end2:
_tile_overlayer_lowered:
.L_overlay_start_2:
0x1d9: {  	(tag) =	ssettag $0x2  }
0x1da: {  	s0 =	rddreg [dreg:$0x0];
	s2 =	stileid.u32  }
0x1db: {  	s1 =	rddreg [dreg:$0x1];
	p0 =	sne.s32 s2, $0x0  }
0x1dc: {  	s3 =	rddreg [dreg:$0x2];
	[bflag:$0x3] =	sbarrier.arrive $0xFFFF;
	s2 =	simm.s32 @!p0 $0x1C05  }
0x1dd: {  	[timem:s3], [sflag:s2] =	dma.local @!p0 [hbm:s0], s1  }
0x1de: {  	s0 =	simm.s32 @!p0 $0x5  }
0x1df: {  	_ =	swait.ge @!p0 [sflag:s0], s1  }
0x1e0: {  	s1 =	ssub.s32 @!p0 $0x0, s1;
	[sflag:s0] =	ssyncset.done @!p0 $0x0  }
0x1e1: {  	[sflag:s0] =	ssyncadd.s32 @!p0 s1  }
0x1e2: {  	[bflag:$0x3] =	sbarrier.arrive $0xFFFF  }
0x1e3: {  	_ =	shalt  }

// kernel: sparse-core-data-format-call.cloned.1.call-start
scs
called_computation_lowered:
.L_overlay_start_0:
0x0: {  	s2 =	sld [smem:$0x3FD9]  }
0x1: {  	s3 =	sld [smem:$0x3FFE];
	_ =	sdelay $0x1  }
0x2: {  	s1 =	srdreg.scid  }
0x3: {  	s0 =	sand.u32 $0x1, s1  }
0x4: {  	s19 =	sshll.u32 s0, $0xA;
	s2 =	sadd.s32 s3, s2  }
0x5: {  	s2 =	sadd.s32 s2, s19  }
0x6: {  	[smem:$0x3FC6] =	sst s2  }
0x7: {  	_ = 	snop  }
0x8: {  	s2 =	sld [smem:$0x3FC8]  }
0x9: {  	s20 =	sld [smem:$0x3FD0];
	(tm) =	ssettm $0x1  }
0xa: {  	s4 =	sld [smem:$0x3FFB];
	_ =	sdelay $0x3  }
0xb: {  	_ =	strace s4  }
0xc: {  	s4 =	sld [smem:$0x3FFC];
	_ =	sdelay $0x3  }
0xd: {  	_ =	strace s4  }
0xe: {  	s4 =	sld [smem:$0x3FFD];
	_ =	sdelay $0x3  }
0xf: {  	_ =	strace s4  }
0x10: {  	_ =	strace $0x8FFFFFFF  }
0x11: {  	s21 =	sld [smem:$0x3FDB];
	_ =	sdelay $0x1  }
0x12: {  	s5 =	simm.s32 $_scs_section_size  }
0x13: {  	s6 =	simm.s32 $_size__tile_overlayer_lowered;
	s7 =	simm.s32 $_tile_overlayer_lowered  }
0x14: {  	s24 =	simm.s32 $0x1BFF;
	s23 =	sshll.u32 s7, $0x1;
	s4 =	sadd.s32 s5, s21  }
0x15: {  	s8 =	simm.s32 $0x0;
	s22 =	sshll.u32 s6, $0x1;
	s6 =	sadd.s32 s23, s4  }
0x16: {  	[timem:s8], [sflag:s24] =	dma.local [hbm:s6], s22  }
0x17: {  	_ =	swait.ge [sflag:s24], s22  }
0x18: {  	s5 =	ssub.s32 $0x0, s22;
	[sflag:s24] =	ssyncset.done $0x0  }
0x19: {  	[sflag:s24] =	ssyncadd.s32 s5;
	_ =	sdelay $0x1  }
0x1a: {  	s25 =	simm.s32 $0x1B8B  }
0x1b: {  	_ =	swait.ge [sflag:s25], $0x1  }
0x1c: {  	[sflag:s25] =	ssyncset.done $0x0  }
0x1d: {  	s26 =	simm.s32 $0x1B8E;
	[sflag:s25] =	ssyncadd.s32 $0xFFFFFFFF  }
0x1e: {  	s27 =	simm.s32 $execute0_lowered;
	[smem:$0x3FD2] =	sst s26  }
0x1f: {  	s5 =	sshll.u32 s27, $0x1;
	_ =	strace $0x80000046;
	[dreg:$0x1] =	wrdreg $0xFFFFFFFF  }
0x20: {  	s28 =	simm.s32 $_size_execute0_lowered;
	s4 =	sadd.s32 s4, s5;
	[dreg:$0x0] =	wrdreg $0x0  }
0x21: {  	s5 =	sshll.u32 s28, $0x1;
	[dreg:$0x2] =	wrdreg s4  }
0x22: {  	[dreg:$0x3] =	wrdreg s5  }
0x23: {  	[dreg:$0x4] =	wrdreg $0xC0  }
0x24: {  	_ =	task [dreg:s8], $0x5FFFF  }
0x25: {  	[dreg:$0x1] =	wrdreg $0xFFFFFFFF  }
0x26: {  	[dreg:$0x0] =	wrdreg $0x60  }
0x27: {  	[dreg:$0x2] =	wrdreg s2  }
0x28: {  	[dreg:$0x3] =	wrdreg s20  }
0x29: {  	[dreg:$0x4] =	wrdreg $0x9  }
0x2a: {  	_ =	task.clear_ibuf [dreg:s8], $0x5FFFF;
	_ =	strace $0x90000046  }
0x2b: {  	s29 =	simm.s32 $0x9;
	_ =	strace $0x80000048  }
0x2c: {  	_ =	swait.ge [sflag:s29], $0x1  }
0x2d: {  	[sflag:s29] =	ssyncadd.s32 $0xFFFFFFFF  }
0x2e: {  	_ =	strace $0x90000048  }
0x2f: {  	_ =	sfence  }
0x30: {  	s30 =	sld [smem:$0x0];
	_ =	sdelay $0x2  }
0x31: {  	s31 =	sshll.u32 s1, $0xD;
	s1 =	sshrl.u32 s1, $0x2  }
0x32: {  	s3 =	sand.u32 $0x4000, s31;
	s1 =	sadd.s32 s1, s30  }
0x33: {  	s0 =	sor.u32 s3, s0;
	s1 =	sshll.u32 s1, $0x11  }
0x34: {  	s0 =	sor.u32 s1, s0  }
0x35: {  	s0 =	sadd.s32 $0x8F2B, s0  }
0x36: {  	[sflag:s0] =	ssyncadd.remote.s32 $0x1  }
0x37: {  	_ =	sfence.sel $0xFFFF  }
0x38: {  	[dreg:$0x0] =	wrdreg $0xFFFFFFFF;
	(pc) =	sbr.abs _section_cstart, $3  }
0x39: {  	[dreg:$0x1] =	wrdreg $0xFFFFFFFF  }
0x3a: {  	_ =	task.clear_ibuf [dreg:s8], $0x2FFFF;
	_ =	strace $0x9FFFFFFF  }
0x3b: {  	(tm) =	ssettm $0x7FFFFFFF  }
tec
execute0_lowered:
.L_overlay_start_1:
0x0: {  	(tag) =	ssettag $0x1  }
0x1: {  	s2 =	rddreg [dreg:$0x0]  }
0x2: {  	s0 =	srdreg.scid;
	s3 =	rddreg [dreg:$0x1]  }
0x3: {  	s1 =	stileid.u32;
	s5 =	simm.s32 $0x1;
	s6 =	simm.s32 $0x2  }
0x4: {  	s15 =	simm.s32 $0x0;
	p0 =	por $0x0, $0x0;
	s0 =	sshll.u32 s0, $0x4  }
0x5: {  	s8 =	simm.s32 $0x80;
	s14 =	simm.s32 $0x0;
	s4 =	sand.u32 $0x10, s0  }
.Ltmp0:
0x6: {  	s9 =	simm.s32 $0x0;
	s4 =	sor.u32 s1, s4;
	(pc) =	sbr.rel .LBB1_1-.Ltmp0, $4  }
0x7: {  	s0 =	rddreg [dreg:$0x2];
	_ =	strace $0x80000047;
	s4 =	sshll.u32 s4, $0x7  }
0x8: {  	s10 =	simm.s32 $0x0;
	[sflag:s5] =	ssyncpa.u1 $0x0;
	s7 =	ssub.s32 $0xF4200, s4  }
0x9: {  	s12 =	simm.s32 $0x0;
	[sflag:s6] =	ssyncpa.u1 $0x0;
	s6 =	sshrl.u32 s7, $0xC  }
0xa: {  	s13 =	simm.s32 $0x0;
	s11 =	smov.u32 s4;
	s7 =	sadd.s32 $0x2, s6  }
.LBB1_5:
0xb: {  	p1 =	slt.u32 s13, $0x2  }
0xc: {  	s17 =	smov.u32 s15;
	p2 =	sgt.s32 @!p1 s15, $0xF41C0;
	s16 =	sshra.s32 @!p1 s15, $0x1F  }
0xd: {  	p3 =	sgt.s32 @!p1 s14, $0x40;
	s18 =	sshra.s32 @!p1 s14, $0x1F;
	p2 =	por !p2, p1  }
0xe: {  	s15 =	sand.u32 @!p1 s16, s15;
	p3 =	por !p3, p1;
	s16 =	smov.u32 s14  }
0xf: {  	s14 =	sand.u32 @!p1 s18, s14;
	s17 =	simm.s32 @p2 $0xF41C0;
	s16 =	simm.s32 @p3 $0x40  }
0x10: {  	s15 =	ssub.s32 @!p1 s17, s15;
	s14 =	ssub.s32 @!p1 s16, s14  }
0x11: {  	s18 =	smov.u32 s12;
	s16 =	sadd.s32 @!p1 $0xFFF0BE40, s15;
	s17 =	sadd.s32 @!p1 $0xFFFFFFC0, s14  }
0x12: {  	s15 =	ssub.s32 @!p1 $0xF4240, s15;
	p2 =	sgt.s32 @!p1 s16, $0x7F;
	p3 =	sgt.s32 @!p1 s17, $0x3F  }
0x13: {  	s14 =	ssub.s32 @!p1 $0x80, s14;
	p2 =	por !p2, p1;
	p3 =	por !p3, p1  }
0x14: {  	s16 =	sadd.s32 $0x1000, s11;
	s15 =	simm.s32 @!p2 $0x0;
	s14 =	simm.s32 @!p3 $0x0  }
0x15: {  	p2 =	sgt.s32 s16, $0xF423F;
	s14 =	smul.u32 @!p1 s14, s15;
	s15 =	sadd.s32 $0x40, s12  }
0x16: {  	s18 =	smov.u32 @p2 s15  }
0x17: {  	s16 =	smov.u32 @p2 s4;
	p2 =	sgt.s32 s18, $0x3F  }
0x18: {  	s18 =	simm.s32 @p2 $0x0;
	p2 =	sne.s32 s13, s7  }
.Ltmp1:
0x19: {  	p0 =	por !p0, !p0;
	s17 =	simm.s32 @!p1 $0x2;
	(pc) =	sbr.rel @!p2 .LBB1_6-.Ltmp1, $4  }
0x1a: {  	s15 =	smov.u32 s9;
	s9 =	smov.u32 s11;
	s14 =	sand.u32 @!p1 $0x3FFFFFFF, s14  }
0x1b: {  	s11 =	smov.u32 s16;
	_ =	swait.ge @!p1 [sflag:s17], s14;
	s19 =	ssub.s32 @!p1 $0x0, s14  }
0x1c: {  	s14 =	smov.u32 s10;
	s13 =	sadd.s32 $0x1, s13;
	[sflag:s17] =	ssyncset.done @!p1 $0x0  }
0x1d: {  	s10 =	smov.u32 s12;
	s12 =	smov.u32 s18;
	[sflag:s17] =	ssyncadd.s32 @!p1 s19  }
.LBB1_1:
0x1e: {  	p1 =	sgt.u32 s13, s6  }
0x1f: {  	s16 =	sshrl.u32 @!p1 s12, $0x3  }
0x20: {  	s17 =	sshll.u32 @!p1 s11, $0x3;
	s16 =	smul.u32 @!p1 $0x7A1400, s16  }
0x21: {  	s18 =	sshll.u32 @!p1 s12, $0x7;
	s17 =	sand.u32 @!p1 $0xFFFFFC00, s17  }
0x22: {  	s16 =	sadd.s32 @!p1 s16, s17;
	s17 =	sand.u32 @!p1 $0x380, s18  }
0x23: {  	s18 =	sand.u32 @!p1 $0x7F, s11;
	s16 =	sor.u32 @!p1 s17, s16  }
0x24: {  	s17 =	sor.u32 @!p1 s18, s16  }
0x25: {  	s18 =	smulhi.u32 @!p1 $0x218D6287, s17;
	_ =	sdelay $0x1  }
0x26: {  	s16 =	smulhi.u32 @!p1 $0x218D6287, s16;
	s18 =	sshrl.u32 @!p1 s18, $0x11  }
0x27: {  	s18 =	smul.u32 @!p1 $0xF4280, s18  }
0x28: {  	s19 =	sxor.u32 @!p1 $0xFFFFFFFF, s13;
	s16 =	sshrl.u32 @!p1 s16, $0x11  }
0x29: {  	s19 =	sshll.u32 @!p1 s19, $0xD;
	s16 =	sand.u32 @!p1 $0x3F, s16;
	s17 =	ssub.s32 @!p1 s17, s18  }
0x2a: {  	s16 =	smul.u32 @!p1 $0x1E850, s16;
	s18 =	sshrl.u32 @!p1 s17, $0x3;
	s17 =	sand.u32 @!p1 $0x7, s17  }
0x2b: {  	s19 =	sand.u32 @!p1 $0x2000, s19;
	s18 =	sadd.s32 @!p1 s2, s18;
	s17 =	sshll.u32 @!p1 s17, $0x12  }
0x2c: {  	s16 =	sadd.s32 @!p1 s16, s18;
	s17 =	sor.u32 @!p1 $0x400, s17;
	s18 =	simm.s32 @!p1 $0x7A1400  }
0x2d: {  	[tilespmem:s19], [sflag:$0x1] =	stream.strided.gather @!p1 [hbm4b:s16+s17], $0x2000, s18, s17, $0x38;
	[tilespmem:$0x8100] =	vst v63  }
0x2e: {  	p1 =	seq.s32 s13, $0x0  }
0x2f: {  	p2 =	sge.u32 @!p1 s13, s7  }
0x30: {  	p1 =	por p1, p2  }
.Ltmp2:
0x31: {  	_ = 	snop;
	(pc) =	sbr.rel @p1 .LBB1_5-.Ltmp2, $1  }
0x32: {  	_ =	sdelay $0x3  }
0x33: {  	s16 =	simm.s32 $0x1  }
0x34: {  	_ =	swait.ge [sflag:s5], $0x2000;
	s16 =	simm.s32 @!p0 $0x0  }
0x35: {  	[sflag:s5] =	ssyncset.done $0x0;
	s17 =	sshll.u32 s16, $0xD  }
0x36: {  	[sflag:s5] =	ssyncadd.s32 $0xFFFFE000;
	s17 =	sor.u32 $0x40, s17  }
0x37: {  	s16 =	smul.u32 $0x8200, s16;
	v0 =	vld [tilespmem:s17+$0x30]  }
0x38: {  	v1 =	vld [tilespmem:s17+$0xFFFFFFD0]  }
0x39: {  	s16 =	sshrl.u32 s16, $0x2;
	v5 =	vld [tilespmem:s17+$0xFFFFFFE0]  }
0x3a: {  	v6 =	vld [tilespmem:s17+$0xFFFFFFF0];
	s19 =	sor.u32 $0x4000, s16  }
0x3b: {  	s31 =	sand.u32 $0x1, s13;
	v4 =	vld [tilespmem:s17+$0x0];
	s18 =	sadd.s32 $0x0, s19  }
0x3c: {  	v3 =	vld [tilespmem:s17+$0x10];
	s16 =	smul.u32 $0x8200, s31;
	[tilespmem:s18+$0x1C70 ss:$0x41] =	vst.msk $0xffff, v0  }
0x3d: {  	v2 =	vld [tilespmem:s17+$0x20];
	[tilespmem:s18+$0x410 ss:$0x41] =	vst.msk $0xffff, v1  }
0x3e: {  	s16 =	sshrl.u32 s16, $0x2;
	v1 =	vld [tilespmem:s17+$0xFFFFFFC0];
	[tilespmem:s18+$0x820 ss:$0x41] =	vst.msk $0xffff, v5;
	s17 =	sadd.s32 $0x80, s17  }
0x3f: {  	s20 =	simm.s32 $0x4;
	s21 =	simm.s32 $0x8;
	s16 =	sor.u32 $0x4000, s16;
	[tilespmem:s18+$0xC30 ss:$0x41] =	vst.msk $0xffff, v6;
	v0 =	vld [tilespmem:s17+$0x30]  }
.LBB1_3:
0x40: {  	p1 =	sne.s32 s21, $0xFC;
	v5 =	vld [tilespmem:s17+$0xFFFFFFD0];
	[tilespmem:s18+$0x1040 ss:$0x41] =	vst.msk $0xffff, v4  }
0x41: {  	v6 =	vld [tilespmem:s17+$0xFFFFFFE0];
	[tilespmem:s18+$0x1450 ss:$0x41] =	vst.msk $0xffff, v3  }
0x42: {  	s22 =	sshra.s32 s20, $0x2;
	s20 =	smov.u32 s21;
	v7 =	vld [tilespmem:s17+$0xFFFFFFF0];
	[tilespmem:s18+$0x1860 ss:$0x41] =	vst.msk $0xffff, v2  }
.Ltmp3:
0x43: {  	v4 =	vld [tilespmem:s17+$0x0];
	[tilespmem:s18+$0x0 ss:$0x41] =	vst.msk $0xffff, v1;
	s18 =	sadd.s32 s22, s19;
	(pc) =	sbr.rel @p1 .LBB1_3-.Ltmp3, $4  }
0x44: {  	v3 =	vld [tilespmem:s17+$0x10];
	[tilespmem:s18+$0x1C70 ss:$0x41] =	vst.msk $0xffff, v0  }
0x45: {  	[tilespmem:s18+$0x410 ss:$0x41] =	vst.msk $0xffff, v5;
	v2 =	vld [tilespmem:s17+$0x20]  }
0x46: {  	v1 =	vld [tilespmem:s17+$0xFFFFFFC0];
	[tilespmem:s18+$0x820 ss:$0x41] =	vst.msk $0xffff, v6;
	s17 =	sadd.s32 $0x80, s17  }
0x47: {  	s21 =	sadd.s32 $0x4, s21;
	v0 =	vld [tilespmem:s17+$0x30];
	[tilespmem:s18+$0xC30 ss:$0x41] =	vst.msk $0xffff, v7  }
0x48: {  	s21 =	sshll.u32 s9, $0x7;
	s22 =	sshll.u32 s10, $0x3;
	s20 =	sshra.s32 s20, $0x2  }
0x49: {  	p1 =	sgt.s32 s9, $0xF41C0;
	s30 =	sshra.s32 s9, $0x1F;
	s25 =	sshra.s32 s10, $0x1F  }
0x4a: {  	v5 =	vld [tilespmem:s17+$0xFFFFFFD0];
	s28 =	sshrl.u32 s10, $0x3;
	s23 =	sand.u32 $0xFFFFFC00, s21;
	s22 =	sand.u32 $0xFFFFFC00, s22  }
0x4b: {  	[tilespmem:s18+$0x1040 ss:$0x41] =	vst.msk $0xffff, v4;
	v58 =	vld [tilespmem:s17+$0xFFFFFFE0];
	s21 =	sand.u32 $0x380, s21;
	s19 =	sadd.s32 s20, s19;
	s22 =	sadd.s32 s22, s23  }
0x4c: {  	v59 =	vld [tilespmem:s17+$0xFFFFFFF0];
	[tilespmem:s18+$0x1450 ss:$0x41] =	vst.msk $0xffff, v3;
	s29 =	sor.u32 s21, s22;
	s21 =	smov.u32 s9;
	s22 =	sand.u32 s30, s9  }
0x4d: {  	v60 =	vld [tilespmem:s17+$0x0];
	[tilespmem:s18+$0x1860 ss:$0x41] =	vst.msk $0xffff, v2;
	s30 =	sand.u32 $0x7, s10;
	s20 =	sshrl.u32 s29, $0x7;
	s21 =	simm.s32 @!p1 $0xF41C0  }
0x4e: {  	v61 =	vld [tilespmem:s17+$0x10];
	[tilespmem:s18+$0x0 ss:$0x41] =	vst.msk $0xffff, v1;
	p1 =	sgt.s32 s10, $0x40;
	s24 =	ssub.s32 s21, s22;
	s21 =	smov.u32 s10  }
0x4f: {  	v62 =	vld [tilespmem:s17+$0x20];
	[tilespmem:s19+$0x1C70 ss:$0x41] =	vst.msk $0xffff, v0;
	s31 =	smulhi.u32 $0x218DEF5, s20;
	s22 =	sand.u32 s25, s10;
	s21 =	simm.s32 @!p1 $0x40  }
0x50: {  	v63 =	vld [tilespmem:s17+$0xFFFFFFC0];
	[tilespmem:s19+$0x410 ss:$0x41] =	vst.msk $0xffff, v5;
	s26 =	sadd.s32 $0xFFF0BE40, s24;
	s17 =	ssub.s32 $0xF4240, s24;
	s21 =	ssub.s32 s21, s22  }
0x51: {  	[tilespmem:s19+$0x820 ss:$0x41] =	vst.msk $0xffff, v58;
	s23 =	sshrl.u32 s31, $0xD;
	p1 =	sgt.s32 s26, $0x7F;
	s27 =	sadd.s32 $0xFFFFFFC0, s21  }
0x52: {  	[tilespmem:s19+$0xC30 ss:$0x41] =	vst.msk $0xffff, v59;
	s23 =	smul.u32 $0xF4240, s23;
	s18 =	ssub.s32 $0x80, s21;
	p2 =	sgt.s32 s27, $0x3F  }
.Ltmp4:
0x53: {  	[tilespmem:s19+$0x1040 ss:$0x41] =	vst.msk $0xffff, v60;
	s17 =	simm.s32 @p1 $0x0;
	s18 =	simm.s32 @p2 $0x0;
	(pc) =	sbr.rel .LBB1_5-.Ltmp4, $4  }
0x54: {  	s29 =	sand.u32 $0xF, s28;
	[tilespmem:s19+$0x1450 ss:$0x41] =	vst.msk $0xffff, v61;
	s20 =	ssub.s32 s20, s23;
	s17 =	smul.u32 s18, s17  }
0x55: {  	[tilespmem:s19+$0x1860 ss:$0x41] =	vst.msk $0xffff, v62;
	s21 =	sshll.u32 s30, $0x12;
	s20 =	sshll.u32 s20, $0x4;
	s18 =	sadd.s32 s3, s29  }
0x56: {  	[tilespmem:s19+$0x0 ss:$0x41] =	vst.msk $0xffff, v63;
	s31 =	sor.u32 $0x40, s21;
	s18 =	sadd.s32 s20, s18;
	s17 =	sand.u32 $0x3FFFFFFF, s17  }
0x57: {  	[hbm4b:s18+s31] =	stream.strided.scatter [tilespmem:s16], [sflag:$0x2], s17, s8, s31, $0x18;
	[tilespmem:$0x8100] =	vst v63  }
.LBB1_6:
0x58: {  	_ =	sfence.sel $0x180000  }
0x59: {  	s2 =	simm.s32 $0x1;
	[bflag:$0x0] =	sbarrier.arrive $0xFFFF  }
0x5a: {  	s31 =	simm.s32 $0x2;
	[sflag:s2] =	ssyncpa.u1 $0x1  }
0x5b: {  	[sflag:s31] =	ssyncpa.u1 $0x1  }
0x5c: {  	p0 =	sne.s32 s1, $0x0;
	_ =	strace $0x90000047  }
0x5d: {  	s0 =	sadd.s32 @!p0 $0x100000, s0;
	[bflag:$0x2] =	sbarrier.arrive $0xFFFF  }
0x5e: {  	[sflag:s0] =	ssyncadd.tile.s32 @!p0 $0x1;
	_ =	shalt  }
.Lfunc_end1:
_tile_overlayer_lowered:
.L_overlay_start_2:
0x5f: {  	(tag) =	ssettag $0x2  }
0x60: {  	s0 =	rddreg [dreg:$0x0];
	s2 =	stileid.u32  }
0x61: {  	s1 =	rddreg [dreg:$0x1];
	p0 =	sne.s32 s2, $0x0  }
0x62: {  	s3 =	rddreg [dreg:$0x2];
	[bflag:$0x3] =	sbarrier.arrive $0xFFFF;
	s2 =	simm.s32 @!p0 $0x1C01  }
0x63: {  	[timem:s3], [sflag:s2] =	dma.local @!p0 [hbm:s0], s1  }
0x64: {  	s0 =	simm.s32 @!p0 $0x1  }
0x65: {  	_ =	swait.ge @!p0 [sflag:s0], s1  }
0x66: {  	s1 =	ssub.s32 @!p0 $0x0, s1;
	[sflag:s0] =	ssyncset.done @!p0 $0x0  }
0x67: {  	[sflag:s0] =	ssyncadd.s32 @!p0 s1  }
0x68: {  	[bflag:$0x3] =	sbarrier.arrive $0xFFFF  }
0x69: {  	_ =	shalt  }

</sc_bundles>
